<compile_context>
chip_gen: v7x
topology: tpu7x:2x2x1
jax: 0.10.2.dev20260603
libtpu: 0.0.44.dev20260713+nightly
codegen_flags: <defaults>
</compile_context>

<pallas_src>
import functools
import math

import jax
import jax.numpy as jnp
from jax import lax
from jax.experimental import pallas as pl
from jax.experimental.pallas import tpu as pltpu
from jax.experimental.pallas import tpu_sc as plsc

N_NODES_C = 10000
N_EDGES_C = 320000

_NC = 2
_NS = 16
_NW = _NC * _NS
_EB = 80
_EPT = N_EDGES_C // _NW
_NBLK = _EPT // _EB
_NFT = 10
_RPT = N_NODES_C // _NFT

_INV_SQRT3 = 1.0 / math.sqrt(3.0)
_INV_SQRT5 = 1.0 / math.sqrt(5.0)
_INV_SQRT32 = 1.0 / math.sqrt(32.0)



def _a1_body(nf_ref, w_ref, y_ref):
    y_ref[...] = lax.dot_general(
        nf_ref[...], w_ref[...], (((1,), (0,)), ((), ())),
        preferred_element_type=jnp.float32)


def _node_linear(node_features, w_big):
    blk = 1000
    grid = N_NODES_C // blk
    return pl.pallas_call(
        _a1_body,
        grid=(grid,),
        in_specs=[
            pl.BlockSpec((blk, 240), lambda i: (i, 0)),
            pl.BlockSpec((240, 256), lambda i: (0, 0)),
        ],
        out_specs=pl.BlockSpec((blk, 256), lambda i: (i, 0)),
        out_shape=jax.ShapeDtypeStruct((N_NODES_C, 256), jnp.float32),
    )(node_features, w_big)



def _a2_body(emb_ref, ea_ref, w1_ref, w2_ref, ew_ref):
    h = lax.dot_general(emb_ref[...], w1_ref[...], (((1,), (0,)), ((), ())),
                        preferred_element_type=jnp.float32)
    h = h * (1.0 / math.sqrt(8.0))
    h = h * (1.0 / (1.0 + jnp.exp(-h)))
    ew = lax.dot_general(h, w2_ref[...], (((1,), (0,)), ((), ())),
                         preferred_element_type=jnp.float32)
    ew = ew * (1.0 / math.sqrt(64.0))
    sh0 = ea_ref[:, 0:1]
    col = lax.broadcasted_iota(jnp.int32, ew.shape, 1)
    scale = jnp.where(col < 64, sh0, jnp.float32(1.0))
    scale = jnp.where(col < 112, scale, jnp.float32(0.0))
    ew_ref[...] = ew * scale


def _edge_mlp(edge_embedding, ea_pad, mlp_w1, mlp_w2):
    blk = 4000
    grid = N_EDGES_C // blk
    return pl.pallas_call(
        _a2_body,
        grid=(grid,),
        in_specs=[
            pl.BlockSpec((blk, 8), lambda i: (i, 0)),
            pl.BlockSpec((blk, 16), lambda i: (i, 0)),
            pl.BlockSpec((8, 64), lambda i: (0, 0)),
            pl.BlockSpec((64, 128), lambda i: (0, 0)),
        ],
        out_specs=pl.BlockSpec((blk, 128), lambda i: (i, 0)),
        out_shape=jax.ShapeDtypeStruct((N_EDGES_C, 128), jnp.float32),
    )(edge_embedding, ea_pad, mlp_w1, mlp_w2)



def _sc_edge_kernel(y_hbm, src_hbm, dst_hbm, ew_hbm, ea_hbm, zero_hbm, out_hbm,
                    src_v, dst_v, g_v, ew_v, ea_v, msg_v, agg, sem):
    c = lax.axis_index("c")
    s = lax.axis_index("s")
    wid = c * _NS + s

    @pl.when(s < _NFT)
    def _zero():
        pltpu.sync_copy(zero_hbm, agg.at[pl.ds(s * _RPT, _RPT)])
    plsc.subcore_barrier()

    base0 = wid * _EPT

    def pad_body(e, carry0):
        msg_v[e, pl.ds(112, 16)] = jnp.zeros((16,), jnp.float32)
        return carry0

    lax.fori_loop(0, _EB, pad_body, 0)

    def blk_body(b, carry):
        base = base0 + b * _EB
        pltpu.sync_copy(src_hbm.at[pl.ds(base, _EB)], src_v)
        pltpu.sync_copy(dst_hbm.at[pl.ds(base, _EB)], dst_v)
        pltpu.async_copy(y_hbm.at[src_v], g_v, sem).wait()
        pltpu.sync_copy(ew_hbm.at[pl.ds(base, _EB)], ew_v)
        pltpu.sync_copy(ea_hbm.at[pl.ds(base * 16, _EB * 16)], ea_v)

        def edge_body(e, carry2):
            shv = ea_v[pl.ds(e * 16, 16)]

            def splat(col):
                return shv[col]

            for c4 in range(4):
                sl = pl.ds(16 * c4, 16)
                msg_v[e, sl] = ew_v[e, sl] * g_v[e, sl]
            s10 = splat(1)
            s11 = splat(2)
            s12 = splat(3)
            for uc in range(2):
                acc = (s10 * g_v[e, pl.ds(64 + uc * 16, 16)]
                       + s11 * g_v[e, pl.ds(96 + uc * 16, 16)]
                       + s12 * g_v[e, pl.ds(128 + uc * 16, 16)])
                sl = pl.ds(64 + uc * 16, 16)
                msg_v[e, sl] = acc * ew_v[e, sl] * _INV_SQRT3
            acc2 = splat(4) * g_v[e, pl.ds(160, 16)]
            for i in range(1, 5):
                acc2 = acc2 + splat(4 + i) * g_v[e, pl.ds(160 + 16 * i, 16)]
            msg_v[e, pl.ds(96, 16)] = acc2 * ew_v[e, pl.ds(96, 16)] * _INV_SQRT5
            return carry2

        lax.fori_loop(0, _EB, edge_body, 0)
        pltpu.sync_copy(msg_v, agg.at[dst_v], add=True)
        return carry

    lax.fori_loop(0, _NBLK, blk_body, 0)
    plsc.subcore_barrier()

    @pl.when(s < _NFT)
    def _flush():
        pltpu.sync_copy(agg.at[pl.ds(s * _RPT, _RPT)],
                        out_hbm.at[c, pl.ds(s * _RPT, _RPT)])


def _sc_edge_stage(y, src, dst, ew, ea_pad, zero_init):
    mesh = plsc.VectorSubcoreMesh(core_axis_name="c", subcore_axis_name="s")
    fn = functools.partial(
        pl.kernel,
        mesh=mesh,
        out_type=jax.ShapeDtypeStruct((_NC, N_NODES_C, 128), jnp.float32),
        scratch_types=[
            pltpu.VMEM((_EB,), jnp.int32),
            pltpu.VMEM((_EB,), jnp.int32),
            pltpu.VMEM((_EB, 256), jnp.float32),
            pltpu.VMEM((_EB, 128), jnp.float32),
            pltpu.VMEM((_EB * 16,), jnp.float32),
            pltpu.VMEM((_EB, 128), jnp.float32),
            pltpu.VMEM_SHARED((N_NODES_C, 128), jnp.float32),
            pltpu.SemaphoreType.DMA,
        ],
    )(_sc_edge_kernel)
    return fn(y, src, dst, ew, ea_pad, zero_init)



def _c_body(p_ref, x0_ref, na_ref, ha_ref, hb_ref, wa_ref, wb_ref, out_ref):
    agg = (p_ref[0, :, :112] + p_ref[1, :, :112]) * _INV_SQRT32
    za = lax.dot_general(agg[:, :96], ha_ref[...], (((1,), (0,)), ((), ())),
                         preferred_element_type=jnp.float32)
    za = za * (1.0 / math.sqrt(96.0))
    zb = lax.dot_general(agg, hb_ref[...], (((1,), (0,)), ((), ())),
                         preferred_element_type=jnp.float32)
    zb = zb * (1.0 / math.sqrt(112.0))
    x0 = x0_ref[...]
    ta = lax.dot_general(x0, wa_ref[...], (((1,), (0,)), ((), ())),
                         preferred_element_type=jnp.float32)
    tb = lax.dot_general(x0, wb_ref[...], (((1,), (0,)), ((), ())),
                         preferred_element_type=jnp.float32)
    na = na_ref[...]
    sc_a = na[:, 0:1] * ta[:, 0:64]
    sc_b = na[:, 0:1] * tb[:, 0:64]
    for v in range(1, 4):
        sc_a = sc_a + na[:, v:v + 1] * ta[:, 64 * v:64 * (v + 1)]
        sc_b = sc_b + na[:, v:v + 1] * tb[:, 64 * v:64 * (v + 1)]
    inv16 = 1.0 / 16.0
    pa = za + sc_a * inv16
    pb = zb + sc_b * inv16
    out_a = pa * (1.0 / (1.0 + jnp.exp(-pa)))
    out_b = pb * (1.0 / (1.0 + jnp.exp(-pb)))
    out_ref[:, :64] = out_a
    out_ref[:, 64:] = out_b


def _heads(partials, x0, node_attrs, ha, hb, wa, wb):
    blk = 1000
    grid = N_NODES_C // blk
    return pl.pallas_call(
        _c_body,
        grid=(grid,),
        in_specs=[
            pl.BlockSpec((2, blk, 128), lambda i: (0, i, 0)),
            pl.BlockSpec((blk, 64), lambda i: (i, 0)),
            pl.BlockSpec((blk, 4), lambda i: (i, 0)),
            pl.BlockSpec((96, 64), lambda i: (0, 0)),
            pl.BlockSpec((112, 64), lambda i: (0, 0)),
            pl.BlockSpec((64, 256), lambda i: (0, 0)),
            pl.BlockSpec((64, 256), lambda i: (0, 0)),
        ],
        out_specs=pl.BlockSpec((blk, 128), lambda i: (i, 0)),
        out_shape=jax.ShapeDtypeStruct((N_NODES_C, 128), jnp.float32),
    )(partials, x0, node_attrs, ha, hb, wa, wb)



def _build_w_big(lin1_w0, lin1_w1, lin1_w2):
    eye3 = jnp.eye(3, dtype=jnp.float32)
    eye5 = jnp.eye(5, dtype=jnp.float32)
    b1 = jnp.einsum('uv,ij->uijv', lin1_w1, eye3).reshape(96, 96)
    b2 = jnp.einsum('uv,ij->uijv', lin1_w2, eye5).reshape(80, 80)
    w = jnp.zeros((240, 256), jnp.float32)
    w = w.at[0:64, 0:64].set(lin1_w0 / 8.0)
    w = w.at[64:160, 64:160].set(b1 * _INV_SQRT32)
    w = w.at[160:240, 160:240].set(b2 / 4.0)
    return w


def kernel(node_features, node_attrs, edge_embedding, edge_attrs, edge_index,
           lin1_w0, lin1_w1, lin1_w2, mlp_w1, mlp_w2,
           head_a_lin2, head_b_lin2, head_a_sc, head_b_sc):
    w_big = _build_w_big(lin1_w0, lin1_w1, lin1_w2)
    ea_pad = jnp.pad(edge_attrs, ((0, 0), (0, 7)))
    src = edge_index[0].astype(jnp.int32)
    dst = edge_index[1].astype(jnp.int32)
    zero_init = jnp.zeros((_RPT, 128), jnp.float32)
    mlp_w2p = jnp.pad(mlp_w2, ((0, 0), (0, 16)))
    wa = head_a_sc.reshape(64, 256)
    wb = head_b_sc.reshape(64, 256)

    y = _node_linear(node_features, w_big)
    ew = _edge_mlp(edge_embedding, ea_pad, mlp_w1, mlp_w2p)
    partials = _sc_edge_stage(y, src, dst, ew, ea_pad.reshape(-1), zero_init)
    out = _heads(partials, node_features[:, :64], node_attrs,
                 head_a_lin2, head_b_lin2, wa, wb)
    return out

# --- scband reference (transcript-rebuilt; emitter-appended) ---
"""Pipeline reference for scband-per-head-conv-net-layer-13125420056913 (READ-ONLY COPY).

The authoritative reference and input builder live on the scoring server;
editing this copy changes nothing except your own understanding.
"""

import jax, jax.numpy as jnp
import numpy as np

N_NODES = 10000
N_EDGES = 320000


def setup_inputs(seed: int = 0) -> dict:
    key = jax.random.key(seed)
    ks = jax.random.split(key, 16)
    inp = {}
    inp["node_features"] = jax.random.normal(ks[0], (N_NODES, 240), dtype=jnp.float32)
    inp["node_attrs"] = jax.random.uniform(ks[1], (N_NODES, 4), dtype=jnp.float32)
    inp["edge_embedding"] = jax.random.uniform(ks[2], (N_EDGES, 8), dtype=jnp.float32)
    inp["edge_attrs"] = jax.random.normal(ks[3], (N_EDGES, 9), dtype=jnp.float32)
    inp["edge_index"] = jax.random.randint(ks[4], (2, N_EDGES), 0, N_NODES)
    # learned parameters
    inp["lin1_w0"] = jax.random.normal(ks[5], (64, 64), dtype=jnp.float32)
    inp["lin1_w1"] = jax.random.normal(ks[6], (32, 32), dtype=jnp.float32)
    inp["lin1_w2"] = jax.random.normal(ks[7], (16, 16), dtype=jnp.float32)
    inp["mlp_w1"] = jax.random.normal(ks[8], (8, 64), dtype=jnp.float32)
    inp["mlp_w2"] = jax.random.normal(ks[9], (64, 112), dtype=jnp.float32)
    inp["head_a_lin2"] = jax.random.normal(ks[10], (96, 64), dtype=jnp.float32)
    inp["head_b_lin2"] = jax.random.normal(ks[11], (112, 64), dtype=jnp.float32)
    inp["head_a_sc"] = jax.random.normal(ks[12], (64, 4, 64), dtype=jnp.float32)
    inp["head_b_sc"] = jax.random.normal(ks[13], (64, 4, 64), dtype=jnp.float32)
    return inp


def reference(node_features, node_attrs, edge_embedding, edge_attrs, edge_index,
              lin1_w0, lin1_w1, lin1_w2, mlp_w1, mlp_w2,
              head_a_lin2, head_b_lin2, head_a_sc, head_b_sc):
    N = node_features.shape[0]
    # split node features into irrep blocks: 64x0e, 32x1o, 16x2e
    x0 = node_features[:, :64]
    x1 = node_features[:, 64:160].reshape(N, 32, 3)
    x2 = node_features[:, 160:240].reshape(N, 16, 5)
    # linear_1 (per-irrep channel mixing, fan-in normalized)
    y0 = (x0 @ lin1_w0) / jnp.sqrt(64.0)
    y1 = jnp.einsum('nui,uv->nvi', x1, lin1_w1) / jnp.sqrt(32.0)
    y2 = jnp.einsum('nui,uv->nvi', x2, lin1_w2) / jnp.sqrt(16.0)
    src = edge_index[0]
    dst = edge_index[1]
    # shared edge MLP -> full TP path weights (112 = 64 + 32 + 16)
    h = jax.nn.silu((edge_embedding @ mlp_w1) / jnp.sqrt(8.0))
    ew = (h @ mlp_w2) / jnp.sqrt(64.0)
    # spherical-harmonic edge attr blocks
    sh0 = edge_attrs[:, 0:1]
    sh1 = edge_attrs[:, 1:4]
    sh2 = edge_attrs[:, 4:9]
    # uvu TP paths with scalar (l=0) outputs: l x l -> 0 is the CG-normalized dot over m
    dot0 = y0[src] * sh0                                            # [E, 64]
    dot1 = jnp.einsum('eui,ei->eu', y1[src], sh1) / jnp.sqrt(3.0)   # [E, 32]
    dot2 = jnp.einsum('eui,ei->eu', y2[src], sh2) / jnp.sqrt(5.0)   # [E, 16]
    msg = jnp.concatenate([ew[:, :64] * dot0, ew[:, 64:96] * dot1, ew[:, 96:112] * dot2], axis=1)
    agg = jax.ops.segment_sum(msg, dst, num_segments=N) / jnp.sqrt(32.0)
    # per-head self-connection: FC tensor product (64x0e x 4x0e -> 64x0e) on pre-linear features
    sc_a = jnp.einsum('nu,nv,uvw->nw', x0, node_attrs, head_a_sc) / jnp.sqrt(64.0 * 4.0)
    sc_b = jnp.einsum('nu,nv,uvw->nw', x0, node_attrs, head_b_sc) / jnp.sqrt(64.0 * 4.0)
    # head_a (l_max=1) uses contiguous prefix (96) of the shared edge weights' path outputs
    out_a = jax.nn.silu((agg[:, :96] @ head_a_lin2) / jnp.sqrt(96.0) + sc_a)
    # head_b (l_max=2) uses all 112 paths
    out_b = jax.nn.silu((agg @ head_b_lin2) / jnp.sqrt(112.0) + sc_b)
    return jnp.concatenate([out_a, out_b], axis=1)

if __name__ == "__main__":
    import jax
    _d = setup_inputs()
    print(jax.jit(kernel)(*tuple(_d.values())))

</pallas_src>

<mosaic_0001>
#map = affine_map<(d0, d1) -> (0, 0)>
#map1 = affine_map<(d0, d1) -> (0)>
#map2 = affine_map<(d0, d1) -> (0, 0, 0)>
module attributes {stable_mosaic.version = 14 : i64} {
  func.func @_sc_edge_kernel(%arg0: i32, %arg1: i32, %arg2: memref<10000x256xf32, #tpu.memory_space<hbm>>, %arg3: memref<320000xi32, #tpu.memory_space<hbm>>, %arg4: memref<320000xi32, #tpu.memory_space<hbm>>, %arg5: memref<320000x128xf32, #tpu.memory_space<hbm>>, %arg6: memref<5120000xf32, #tpu.memory_space<hbm>>, %arg7: memref<1000x128xf32, #tpu.memory_space<hbm>>, %arg8: memref<2x10000x128xf32, #tpu.memory_space<hbm>>, %arg9: memref<80xi32, #tpu.memory_space<vmem>>, %arg10: memref<80xi32, #tpu.memory_space<vmem>>, %arg11: memref<80x256xf32, #tpu.memory_space<vmem>>, %arg12: memref<80x128xf32, #tpu.memory_space<vmem>>, %arg13: memref<1280xf32, #tpu.memory_space<vmem>>, %arg14: memref<80x128xf32, #tpu.memory_space<vmem>>, %arg15: memref<10000x128xf32, #tpu.memory_space<vmem_shared>>, %arg16: memref<!tpu.dma_semaphore, #tpu.memory_space<semaphore_mem>>) attributes {dimension_semantics = [#tpu.dimension_semantics<core_parallel>, #tpu.dimension_semantics<subcore_parallel>], iteration_bounds = array<i64: 2, 16>, scalar_prefetch = 0 : i64, scratch_operands = 8 : i64, tpu.core_type = #tpu.core_type<sc_vector_subcore>, window_params = [{transform_indices = #map}, {transform_indices = #map1}, {transform_indices = #map1}, {transform_indices = #map}, {transform_indices = #map1}, {transform_indices = #map}, {transform_indices = #map2}]} {
    %mul3A = arith.constant 16 : i32
    %mul3A_0 = arith.muli %arg0, %mul3A : i32
    %add3A = arith.addi %mul3A_0, %arg1 : i32
    %lt3A = arith.constant 10 : i32
    %lt3A_1 = arith.cmpi slt, %arg1, %lt3A : i32
    %convert_element_type3A = arith.extui %lt3A_1 : i1 to i32
    %cond3A = arith.constant 0 : i32
    %cond3A_2 = arith.cmpi ne, %convert_element_type3A, %cond3A : i32
    scf.if %cond3A_2 {
      %mul3A_22 = arith.constant 1000 : i32
      %mul3A_23 = arith.muli %arg1, %mul3A_22 : i32
      "tpu.region"() ({
        %run_scoped3A = tpu.sem_alloc : memref<!tpu.dma_semaphore, #tpu.memory_space<semaphore_mem>>
        %dma_start3A = arith.constant 0 : i32
        %dma_start3A_24 = tpu.memref_slice %arg15[%mul3A_23, %dma_start3A] : memref<10000x128xf32, #tpu.memory_space<vmem_shared>> -> memref<1000x128xf32, #tpu.memory_space<vmem_shared>>
        tpu.enqueue_dma source(%arg7 : memref<1000x128xf32, #tpu.memory_space<hbm>>) target(%dma_start3A_24 : memref<1000x128xf32, #tpu.memory_space<vmem_shared>>) target_semaphore(%run_scoped3A : memref<!tpu.dma_semaphore, #tpu.memory_space<semaphore_mem>>)
        %dma_wait3A = arith.constant 0 : i32
        %dma_wait3A_25 = tpu.memref_slice %arg15[%mul3A_23, %dma_wait3A] : memref<10000x128xf32, #tpu.memory_space<vmem_shared>> -> memref<1000x128xf32, #tpu.memory_space<vmem_shared>>
        tpu.wait_dma2 semaphore(%run_scoped3A : memref<!tpu.dma_semaphore, #tpu.memory_space<semaphore_mem>>) src(%arg7 : memref<1000x128xf32, #tpu.memory_space<hbm>>) dst(%dma_wait3A_25 : memref<1000x128xf32, #tpu.memory_space<vmem_shared>>)
        tpu.yield
      }) : () -> ()
    } else {
    }
    %barrier3A = arith.constant 0 : index
    tpu.barrier barrier_id(%barrier3A)
    %mul3A_3 = arith.constant 10000 : i32
    %mul3A_4 = arith.muli %add3A, %mul3A_3 : i32
    %scan3A = arith.constant 0 : i32
    %scan3A_5 = arith.constant 0 : i32
    %scan3A_6 = arith.constant 80 : i32
    %scan3A_7 = arith.addi %scan3A_5, %scan3A_6 : i32
    %scan3A_8 = arith.constant 1 : i32
    scf.for %scan3A_22 = %scan3A_5 to %scan3A_7 step %scan3A_8  : i32 {
      %broadcast_in_dim3A = arith.constant 0.000000e+00 : f32
      %broadcast_in_dim3A_23 = vector.broadcast %broadcast_in_dim3A : f32 to vector<16xf32>
      %swap3A = arith.index_cast %scan3A_22 : i32 to index
      %swap3A_24 = arith.constant 112 : index
      %swap3A_25 = tpu.vector_load %arg14[%swap3A, %swap3A_24] {strides = array<i32>} : memref<80x128xf32, #tpu.memory_space<vmem>>, vector<1x16xf32>,
      %swap3A_26 = vector.shape_cast %swap3A_25 : vector<1x16xf32> to vector<16xf32>
      %swap3A_27 = vector.shape_cast %broadcast_in_dim3A_23 : vector<16xf32> to vector<1x16xf32>
      tpu.vector_store %arg14[%swap3A, %swap3A_24], %swap3A_27 {strides = array<i32>} : memref<80x128xf32, #tpu.memory_space<vmem>>, vector<1x16xf32>,
    }
    %scan3A_9 = arith.constant 80 : i32
    %scan3A_10 = arith.constant 0 : i32
    %scan3A_11 = arith.constant 0 : i32
    %scan3A_12 = arith.constant 125 : i32
    %scan3A_13 = arith.addi %scan3A_11, %scan3A_12 : i32
    %scan3A_14 = arith.constant 1 : i32
    scf.for %scan3A_22 = %scan3A_11 to %scan3A_13 step %scan3A_14  : i32 {
      %mul3A_23 = arith.constant 80 : i32
      %mul3A_24 = arith.muli %scan3A_22, %mul3A_23 : i32
      %add3A_25 = arith.addi %mul3A_4, %mul3A_24 : i32
      "tpu.region"() ({
        %run_scoped3A = tpu.sem_alloc : memref<!tpu.dma_semaphore, #tpu.memory_space<semaphore_mem>>
        %dma_start3A_38 = tpu.memref_slice %arg3[%add3A_25] : memref<320000xi32, #tpu.memory_space<hbm>> -> memref<80xi32, #tpu.memory_space<hbm>>
        %dma_start3A_39 = tpu.memref_slice %arg3[%add3A_25] : memref<320000xi32, #tpu.memory_space<hbm>> -> memref<80xi32, #tpu.memory_space<hbm>>
        tpu.enqueue_dma source(%dma_start3A_39 : memref<80xi32, #tpu.memory_space<hbm>>) target(%arg9 : memref<80xi32, #tpu.memory_space<vmem>>) target_semaphore(%run_scoped3A : memref<!tpu.dma_semaphore, #tpu.memory_space<semaphore_mem>>)
        %dma_wait3A_40 = tpu.memref_slice %arg3[%add3A_25] : memref<320000xi32, #tpu.memory_space<hbm>> -> memref<80xi32, #tpu.memory_space<hbm>>
        %dma_wait3A_41 = tpu.memref_slice %arg3[%add3A_25] : memref<320000xi32, #tpu.memory_space<hbm>> -> memref<80xi32, #tpu.memory_space<hbm>>
        tpu.wait_dma2 semaphore(%run_scoped3A : memref<!tpu.dma_semaphore, #tpu.memory_space<semaphore_mem>>) src(%dma_wait3A_41 : memref<80xi32, #tpu.memory_space<hbm>>) dst(%arg9 : memref<80xi32, #tpu.memory_space<vmem>>)
        tpu.yield
      }) : () -> ()
      "tpu.region"() ({
        %run_scoped3A = tpu.sem_alloc : memref<!tpu.dma_semaphore, #tpu.memory_space<semaphore_mem>>
        %dma_start3A_38 = tpu.memref_slice %arg4[%add3A_25] : memref<320000xi32, #tpu.memory_space<hbm>> -> memref<80xi32, #tpu.memory_space<hbm>>
        %dma_start3A_39 = tpu.memref_slice %arg4[%add3A_25] : memref<320000xi32, #tpu.memory_space<hbm>> -> memref<80xi32, #tpu.memory_space<hbm>>
        tpu.enqueue_dma source(%dma_start3A_39 : memref<80xi32, #tpu.memory_space<hbm>>) target(%arg10 : memref<80xi32, #tpu.memory_space<vmem>>) target_semaphore(%run_scoped3A : memref<!tpu.dma_semaphore, #tpu.memory_space<semaphore_mem>>)
        %dma_wait3A_40 = tpu.memref_slice %arg4[%add3A_25] : memref<320000xi32, #tpu.memory_space<hbm>> -> memref<80xi32, #tpu.memory_space<hbm>>
        %dma_wait3A_41 = tpu.memref_slice %arg4[%add3A_25] : memref<320000xi32, #tpu.memory_space<hbm>> -> memref<80xi32, #tpu.memory_space<hbm>>
        tpu.wait_dma2 semaphore(%run_scoped3A : memref<!tpu.dma_semaphore, #tpu.memory_space<semaphore_mem>>) src(%dma_wait3A_41 : memref<80xi32, #tpu.memory_space<hbm>>) dst(%arg10 : memref<80xi32, #tpu.memory_space<vmem>>)
        tpu.yield
      }) : () -> ()
      %dma_start3A = arith.constant 0 : i32
      %dma_start3A_26 = arith.constant 0 : i32
      %dma_start3A_27 = tpu.memref_slice %arg2[%dma_start3A, %dma_start3A_26] : memref<10000x256xf32, #tpu.memory_space<hbm>> -> memref<10000x256xf32, #tpu.memory_space<hbm>>
      tpu.enqueue_indirect_dma source(%dma_start3A_27 : memref<10000x256xf32, #tpu.memory_space<hbm>>) target(%arg11 : memref<80x256xf32, #tpu.memory_space<vmem>>) offsets(%arg9 : memref<80xi32, #tpu.memory_space<vmem>>) semaphore(%arg16 : memref<!tpu.dma_semaphore, #tpu.memory_space<semaphore_mem>>)
      %dma_wait3A = arith.constant 0 : i32
      %dma_wait3A_28 = arith.constant 0 : i32
      %dma_wait3A_29 = tpu.memref_slice %arg2[%dma_wait3A, %dma_wait3A_28] : memref<10000x256xf32, #tpu.memory_space<hbm>> -> memref<10000x256xf32, #tpu.memory_space<hbm>>
      tpu.wait_indirect_dma semaphore(%arg16 : memref<!tpu.dma_semaphore, #tpu.memory_space<semaphore_mem>>) src(%dma_wait3A_29 : memref<10000x256xf32, #tpu.memory_space<hbm>>) dst(%arg11 : memref<80x256xf32, #tpu.memory_space<vmem>>)
      "tpu.region"() ({
        %run_scoped3A = tpu.sem_alloc : memref<!tpu.dma_semaphore, #tpu.memory_space<semaphore_mem>>
        %dma_start3A_38 = arith.constant 0 : i32
        %dma_start3A_39 = tpu.memref_slice %arg5[%add3A_25, %dma_start3A_38] : memref<320000x128xf32, #tpu.memory_space<hbm>> -> memref<80x128xf32, #tpu.memory_space<hbm>>
        %dma_start3A_40 = arith.constant 0 : i32
        %dma_start3A_41 = tpu.memref_slice %arg5[%add3A_25, %dma_start3A_40] : memref<320000x128xf32, #tpu.memory_space<hbm>> -> memref<80x128xf32, #tpu.memory_space<hbm>>
        tpu.enqueue_dma source(%dma_start3A_41 : memref<80x128xf32, #tpu.memory_space<hbm>>) target(%arg12 : memref<80x128xf32, #tpu.memory_space<vmem>>) target_semaphore(%run_scoped3A : memref<!tpu.dma_semaphore, #tpu.memory_space<semaphore_mem>>)
        %dma_wait3A_42 = arith.constant 0 : i32
        %dma_wait3A_43 = tpu.memref_slice %arg5[%add3A_25, %dma_wait3A_42] : memref<320000x128xf32, #tpu.memory_space<hbm>> -> memref<80x128xf32, #tpu.memory_space<hbm>>
        %dma_wait3A_44 = arith.constant 0 : i32
        %dma_wait3A_45 = tpu.memref_slice %arg5[%add3A_25, %dma_wait3A_44] : memref<320000x128xf32, #tpu.memory_space<hbm>> -> memref<80x128xf32, #tpu.memory_space<hbm>>
        tpu.wait_dma2 semaphore(%run_scoped3A : memref<!tpu.dma_semaphore, #tpu.memory_space<semaphore_mem>>) src(%dma_wait3A_45 : memref<80x128xf32, #tpu.memory_space<hbm>>) dst(%arg12 : memref<80x128xf32, #tpu.memory_space<vmem>>)
        tpu.yield
      }) : () -> ()
      %mul3A_30 = arith.constant 16 : i32
      %mul3A_31 = arith.muli %add3A_25, %mul3A_30 : i32
      "tpu.region"() ({
        %run_scoped3A = tpu.sem_alloc : memref<!tpu.dma_semaphore, #tpu.memory_space<semaphore_mem>>
        %dma_start3A_38 = tpu.memref_slice %arg6[%mul3A_31] : memref<5120000xf32, #tpu.memory_space<hbm>> -> memref<1280xf32, #tpu.memory_space<hbm>>
        %dma_start3A_39 = tpu.memref_slice %arg6[%mul3A_31] : memref<5120000xf32, #tpu.memory_space<hbm>> -> memref<1280xf32, #tpu.memory_space<hbm>>
        tpu.enqueue_dma source(%dma_start3A_39 : memref<1280xf32, #tpu.memory_space<hbm>>) target(%arg13 : memref<1280xf32, #tpu.memory_space<vmem>>) target_semaphore(%run_scoped3A : memref<!tpu.dma_semaphore, #tpu.memory_space<semaphore_mem>>)
        %dma_wait3A_40 = tpu.memref_slice %arg6[%mul3A_31] : memref<5120000xf32, #tpu.memory_space<hbm>> -> memref<1280xf32, #tpu.memory_space<hbm>>
        %dma_wait3A_41 = tpu.memref_slice %arg6[%mul3A_31] : memref<5120000xf32, #tpu.memory_space<hbm>> -> memref<1280xf32, #tpu.memory_space<hbm>>
        tpu.wait_dma2 semaphore(%run_scoped3A : memref<!tpu.dma_semaphore, #tpu.memory_space<semaphore_mem>>) src(%dma_wait3A_41 : memref<1280xf32, #tpu.memory_space<hbm>>) dst(%arg13 : memref<1280xf32, #tpu.memory_space<vmem>>)
        tpu.yield
      }) : () -> ()
      %scan3A_32 = arith.constant 0 : i32
      %scan3A_33 = arith.constant 0 : i32
      %scan3A_34 = arith.constant 80 : i32
      %scan3A_35 = arith.addi %scan3A_33, %scan3A_34 : i32
      %scan3A_36 = arith.constant 1 : i32
      scf.for %scan3A_38 = %scan3A_33 to %scan3A_35 step %scan3A_36  : i32 {
        %mul3A_39 = arith.constant 16 : i32
        %mul3A_40 = arith.muli %scan3A_38, %mul3A_39 : i32
        %get3A = arith.index_cast %mul3A_40 : i32 to index
        %get3A_41 = tpu.vector_load %arg13[%get3A] {strides = array<i32>} : memref<1280xf32, #tpu.memory_space<vmem>>, vector<16xf32>,
        %get3A_42 = vector.shape_cast %get3A_41 : vector<16xf32> to vector<16xf32>
        %get3A_43 = arith.index_cast %scan3A_38 : i32 to index
        %get3A_44 = arith.constant 0 : index
        %get3A_45 = tpu.vector_load %arg12[%get3A_43, %get3A_44] {strides = array<i32>} : memref<80x128xf32, #tpu.memory_space<vmem>>, vector<1x16xf32>,
        %get3A_46 = vector.shape_cast %get3A_45 : vector<1x16xf32> to vector<16xf32>
        %get3A_47 = arith.index_cast %scan3A_38 : i32 to index
        %get3A_48 = arith.constant 0 : index
        %get3A_49 = tpu.vector_load %arg11[%get3A_47, %get3A_48] {strides = array<i32>} : memref<80x256xf32, #tpu.memory_space<vmem>>, vector<1x16xf32>,
        %get3A_50 = vector.shape_cast %get3A_49 : vector<1x16xf32> to vector<16xf32>
        %mul3A_51 = arith.mulf %get3A_46, %get3A_50 : vector<16xf32>
        %swap3A = arith.index_cast %scan3A_38 : i32 to index
        %swap3A_52 = arith.constant 0 : index
        %swap3A_53 = tpu.vector_load %arg14[%swap3A, %swap3A_52] {strides = array<i32>} : memref<80x128xf32, #tpu.memory_space<vmem>>, vector<1x16xf32>,
        %swap3A_54 = vector.shape_cast %swap3A_53 : vector<1x16xf32> to vector<16xf32>
        %swap3A_55 = vector.shape_cast %mul3A_51 : vector<16xf32> to vector<1x16xf32>
        tpu.vector_store %arg14[%swap3A, %swap3A_52], %swap3A_55 {strides = array<i32>} : memref<80x128xf32, #tpu.memory_space<vmem>>, vector<1x16xf32>,
        %get3A_56 = arith.index_cast %scan3A_38 : i32 to index
        %get3A_57 = arith.constant 16 : index
        %get3A_58 = tpu.vector_load %arg12[%get3A_56, %get3A_57] {strides = array<i32>} : memref<80x128xf32, #tpu.memory_space<vmem>>, vector<1x16xf32>,
        %get3A_59 = vector.shape_cast %get3A_58 : vector<1x16xf32> to vector<16xf32>
        %get3A_60 = arith.index_cast %scan3A_38 : i32 to index
        %get3A_61 = arith.constant 16 : index
        %get3A_62 = tpu.vector_load %arg11[%get3A_60, %get3A_61] {strides = array<i32>} : memref<80x256xf32, #tpu.memory_space<vmem>>, vector<1x16xf32>,
        %get3A_63 = vector.shape_cast %get3A_62 : vector<1x16xf32> to vector<16xf32>
        %mul3A_64 = arith.mulf %get3A_59, %get3A_63 : vector<16xf32>
        %swap3A_65 = arith.index_cast %scan3A_38 : i32 to index
        %swap3A_66 = arith.constant 16 : index
        %swap3A_67 = tpu.vector_load %arg14[%swap3A_65, %swap3A_66] {strides = array<i32>} : memref<80x128xf32, #tpu.memory_space<vmem>>, vector<1x16xf32>,
        %swap3A_68 = vector.shape_cast %swap3A_67 : vector<1x16xf32> to vector<16xf32>
        %swap3A_69 = vector.shape_cast %mul3A_64 : vector<16xf32> to vector<1x16xf32>
        tpu.vector_store %arg14[%swap3A_65, %swap3A_66], %swap3A_69 {strides = array<i32>} : memref<80x128xf32, #tpu.memory_space<vmem>>, vector<1x16xf32>,
        %get3A_70 = arith.index_cast %scan3A_38 : i32 to index
        %get3A_71 = arith.constant 32 : index
        %get3A_72 = tpu.vector_load %arg12[%get3A_70, %get3A_71] {strides = array<i32>} : memref<80x128xf32, #tpu.memory_space<vmem>>, vector<1x16xf32>,
        %get3A_73 = vector.shape_cast %get3A_72 : vector<1x16xf32> to vector<16xf32>
        %get3A_74 = arith.index_cast %scan3A_38 : i32 to index
        %get3A_75 = arith.constant 32 : index
        %get3A_76 = tpu.vector_load %arg11[%get3A_74, %get3A_75] {strides = array<i32>} : memref<80x256xf32, #tpu.memory_space<vmem>>, vector<1x16xf32>,
        %get3A_77 = vector.shape_cast %get3A_76 : vector<1x16xf32> to vector<16xf32>
        %mul3A_78 = arith.mulf %get3A_73, %get3A_77 : vector<16xf32>
        %swap3A_79 = arith.index_cast %scan3A_38 : i32 to index
        %swap3A_80 = arith.constant 32 : index
        %swap3A_81 = tpu.vector_load %arg14[%swap3A_79, %swap3A_80] {strides = array<i32>} : memref<80x128xf32, #tpu.memory_space<vmem>>, vector<1x16xf32>,
        %swap3A_82 = vector.shape_cast %swap3A_81 : vector<1x16xf32> to vector<16xf32>
        %swap3A_83 = vector.shape_cast %mul3A_78 : vector<16xf32> to vector<1x16xf32>
        tpu.vector_store %arg14[%swap3A_79, %swap3A_80], %swap3A_83 {strides = array<i32>} : memref<80x128xf32, #tpu.memory_space<vmem>>, vector<1x16xf32>,
        %get3A_84 = arith.index_cast %scan3A_38 : i32 to index
        %get3A_85 = arith.constant 48 : index
        %get3A_86 = tpu.vector_load %arg12[%get3A_84, %get3A_85] {strides = array<i32>} : memref<80x128xf32, #tpu.memory_space<vmem>>, vector<1x16xf32>,
        %get3A_87 = vector.shape_cast %get3A_86 : vector<1x16xf32> to vector<16xf32>
        %get3A_88 = arith.index_cast %scan3A_38 : i32 to index
        %get3A_89 = arith.constant 48 : index
        %get3A_90 = tpu.vector_load %arg11[%get3A_88, %get3A_89] {strides = array<i32>} : memref<80x256xf32, #tpu.memory_space<vmem>>, vector<1x16xf32>,
        %get3A_91 = vector.shape_cast %get3A_90 : vector<1x16xf32> to vector<16xf32>
        %mul3A_92 = arith.mulf %get3A_87, %get3A_91 : vector<16xf32>
        %swap3A_93 = arith.index_cast %scan3A_38 : i32 to index
        %swap3A_94 = arith.constant 48 : index
        %swap3A_95 = tpu.vector_load %arg14[%swap3A_93, %swap3A_94] {strides = array<i32>} : memref<80x128xf32, #tpu.memory_space<vmem>>, vector<1x16xf32>,
        %swap3A_96 = vector.shape_cast %swap3A_95 : vector<1x16xf32> to vector<16xf32>
        %swap3A_97 = vector.shape_cast %mul3A_92 : vector<16xf32> to vector<1x16xf32>
        tpu.vector_store %arg14[%swap3A_93, %swap3A_94], %swap3A_97 {strides = array<i32>} : memref<80x128xf32, #tpu.memory_space<vmem>>, vector<1x16xf32>,
        %slice3A = vector.extract_strided_slice %get3A_42 {offsets = [1], sizes = [1], strides = [1]} : vector<16xf32> to vector<1xf32>
        %squeeze3A = vector.extract %slice3A[0] : f32 from vector<1xf32>
        %slice3A_98 = vector.extract_strided_slice %get3A_42 {offsets = [2], sizes = [1], strides = [1]} : vector<16xf32> to vector<1xf32>
        %squeeze3A_99 = vector.extract %slice3A_98[0] : f32 from vector<1xf32>
        %slice3A_100 = vector.extract_strided_slice %get3A_42 {offsets = [3], sizes = [1], strides = [1]} : vector<16xf32> to vector<1xf32>
        %squeeze3A_101 = vector.extract %slice3A_100[0] : f32 from vector<1xf32>
        %get3A_102 = arith.index_cast %scan3A_38 : i32 to index
        %get3A_103 = arith.constant 64 : index
        %get3A_104 = tpu.vector_load %arg11[%get3A_102, %get3A_103] {strides = array<i32>} : memref<80x256xf32, #tpu.memory_space<vmem>>, vector<1x16xf32>,
        %get3A_105 = vector.shape_cast %get3A_104 : vector<1x16xf32> to vector<16xf32>
        %mul3A_106 = vector.broadcast %squeeze3A : f32 to vector<16xf32>
        %mul3A_107 = arith.mulf %mul3A_106, %get3A_105 : vector<16xf32>
        %get3A_108 = arith.index_cast %scan3A_38 : i32 to index
        %get3A_109 = arith.constant 96 : index
        %get3A_110 = tpu.vector_load %arg11[%get3A_108, %get3A_109] {strides = array<i32>} : memref<80x256xf32, #tpu.memory_space<vmem>>, vector<1x16xf32>,
        %get3A_111 = vector.shape_cast %get3A_110 : vector<1x16xf32> to vector<16xf32>
        %mul3A_112 = vector.broadcast %squeeze3A_99 : f32 to vector<16xf32>
        %mul3A_113 = arith.mulf %mul3A_112, %get3A_111 : vector<16xf32>
        %add3A_114 = arith.addf %mul3A_107, %mul3A_113 : vector<16xf32>
        %get3A_115 = arith.index_cast %scan3A_38 : i32 to index
        %get3A_116 = arith.constant 128 : index
        %get3A_117 = tpu.vector_load %arg11[%get3A_115, %get3A_116] {strides = array<i32>} : memref<80x256xf32, #tpu.memory_space<vmem>>, vector<1x16xf32>,
        %get3A_118 = vector.shape_cast %get3A_117 : vector<1x16xf32> to vector<16xf32>
        %mul3A_119 = vector.broadcast %squeeze3A_101 : f32 to vector<16xf32>
        %mul3A_120 = arith.mulf %mul3A_119, %get3A_118 : vector<16xf32>
        %add3A_121 = arith.addf %add3A_114, %mul3A_120 : vector<16xf32>
        %get3A_122 = arith.index_cast %scan3A_38 : i32 to index
        %get3A_123 = arith.constant 64 : index
        %get3A_124 = tpu.vector_load %arg12[%get3A_122, %get3A_123] {strides = array<i32>} : memref<80x128xf32, #tpu.memory_space<vmem>>, vector<1x16xf32>,
        %get3A_125 = vector.shape_cast %get3A_124 : vector<1x16xf32> to vector<16xf32>
        %mul3A_126 = arith.mulf %add3A_121, %get3A_125 : vector<16xf32>
        %mul3A_127 = arith.constant 0.577350259 : f32
        %mul3A_128 = vector.broadcast %mul3A_127 : f32 to vector<16xf32>
        %mul3A_129 = arith.mulf %mul3A_126, %mul3A_128 : vector<16xf32>
        %swap3A_130 = arith.index_cast %scan3A_38 : i32 to index
        %swap3A_131 = arith.constant 64 : index
        %swap3A_132 = tpu.vector_load %arg14[%swap3A_130, %swap3A_131] {strides = array<i32>} : memref<80x128xf32, #tpu.memory_space<vmem>>, vector<1x16xf32>,
        %swap3A_133 = vector.shape_cast %swap3A_132 : vector<1x16xf32> to vector<16xf32>
        %swap3A_134 = vector.shape_cast %mul3A_129 : vector<16xf32> to vector<1x16xf32>
        tpu.vector_store %arg14[%swap3A_130, %swap3A_131], %swap3A_134 {strides = array<i32>} : memref<80x128xf32, #tpu.memory_space<vmem>>, vector<1x16xf32>,
        %get3A_135 = arith.index_cast %scan3A_38 : i32 to index
        %get3A_136 = arith.constant 80 : index
        %get3A_137 = tpu.vector_load %arg11[%get3A_135, %get3A_136] {strides = array<i32>} : memref<80x256xf32, #tpu.memory_space<vmem>>, vector<1x16xf32>,
        %get3A_138 = vector.shape_cast %get3A_137 : vector<1x16xf32> to vector<16xf32>
        %mul3A_139 = vector.broadcast %squeeze3A : f32 to vector<16xf32>
        %mul3A_140 = arith.mulf %mul3A_139, %get3A_138 : vector<16xf32>
        %get3A_141 = arith.index_cast %scan3A_38 : i32 to index
        %get3A_142 = arith.constant 112 : index
        %get3A_143 = tpu.vector_load %arg11[%get3A_141, %get3A_142] {strides = array<i32>} : memref<80x256xf32, #tpu.memory_space<vmem>>, vector<1x16xf32>,
        %get3A_144 = vector.shape_cast %get3A_143 : vector<1x16xf32> to vector<16xf32>
        %mul3A_145 = vector.broadcast %squeeze3A_99 : f32 to vector<16xf32>
        %mul3A_146 = arith.mulf %mul3A_145, %get3A_144 : vector<16xf32>
        %add3A_147 = arith.addf %mul3A_140, %mul3A_146 : vector<16xf32>
        %get3A_148 = arith.index_cast %scan3A_38 : i32 to index
        %get3A_149 = arith.constant 144 : index
        %get3A_150 = tpu.vector_load %arg11[%get3A_148, %get3A_149] {strides = array<i32>} : memref<80x256xf32, #tpu.memory_space<vmem>>, vector<1x16xf32>,
        %get3A_151 = vector.shape_cast %get3A_150 : vector<1x16xf32> to vector<16xf32>
        %mul3A_152 = vector.broadcast %squeeze3A_101 : f32 to vector<16xf32>
        %mul3A_153 = arith.mulf %mul3A_152, %get3A_151 : vector<16xf32>
        %add3A_154 = arith.addf %add3A_147, %mul3A_153 : vector<16xf32>
        %get3A_155 = arith.index_cast %scan3A_38 : i32 to index
        %get3A_156 = arith.constant 80 : index
        %get3A_157 = tpu.vector_load %arg12[%get3A_155, %get3A_156] {strides = array<i32>} : memref<80x128xf32, #tpu.memory_space<vmem>>, vector<1x16xf32>,
        %get3A_158 = vector.shape_cast %get3A_157 : vector<1x16xf32> to vector<16xf32>
        %mul3A_159 = arith.mulf %add3A_154, %get3A_158 : vector<16xf32>
        %mul3A_160 = arith.constant 0.577350259 : f32
        %mul3A_161 = vector.broadcast %mul3A_160 : f32 to vector<16xf32>
        %mul3A_162 = arith.mulf %mul3A_159, %mul3A_161 : vector<16xf32>
        %swap3A_163 = arith.index_cast %scan3A_38 : i32 to index
        %swap3A_164 = arith.constant 80 : index
        %swap3A_165 = tpu.vector_load %arg14[%swap3A_163, %swap3A_164] {strides = array<i32>} : memref<80x128xf32, #tpu.memory_space<vmem>>, vector<1x16xf32>,
        %swap3A_166 = vector.shape_cast %swap3A_165 : vector<1x16xf32> to vector<16xf32>
        %swap3A_167 = vector.shape_cast %mul3A_162 : vector<16xf32> to vector<1x16xf32>
        tpu.vector_store %arg14[%swap3A_163, %swap3A_164], %swap3A_167 {strides = array<i32>} : memref<80x128xf32, #tpu.memory_space<vmem>>, vector<1x16xf32>,
        %slice3A_168 = vector.extract_strided_slice %get3A_42 {offsets = [4], sizes = [1], strides = [1]} : vector<16xf32> to vector<1xf32>
        %squeeze3A_169 = vector.extract %slice3A_168[0] : f32 from vector<1xf32>
        %get3A_170 = arith.index_cast %scan3A_38 : i32 to index
        %get3A_171 = arith.constant 160 : index
        %get3A_172 = tpu.vector_load %arg11[%get3A_170, %get3A_171] {strides = array<i32>} : memref<80x256xf32, #tpu.memory_space<vmem>>, vector<1x16xf32>,
        %get3A_173 = vector.shape_cast %get3A_172 : vector<1x16xf32> to vector<16xf32>
        %mul3A_174 = vector.broadcast %squeeze3A_169 : f32 to vector<16xf32>
        %mul3A_175 = arith.mulf %mul3A_174, %get3A_173 : vector<16xf32>
        %slice3A_176 = vector.extract_strided_slice %get3A_42 {offsets = [5], sizes = [1], strides = [1]} : vector<16xf32> to vector<1xf32>
        %squeeze3A_177 = vector.extract %slice3A_176[0] : f32 from vector<1xf32>
        %get3A_178 = arith.index_cast %scan3A_38 : i32 to index
        %get3A_179 = arith.constant 176 : index
        %get3A_180 = tpu.vector_load %arg11[%get3A_178, %get3A_179] {strides = array<i32>} : memref<80x256xf32, #tpu.memory_space<vmem>>, vector<1x16xf32>,
        %get3A_181 = vector.shape_cast %get3A_180 : vector<1x16xf32> to vector<16xf32>
        %mul3A_182 = vector.broadcast %squeeze3A_177 : f32 to vector<16xf32>
        %mul3A_183 = arith.mulf %mul3A_182, %get3A_181 : vector<16xf32>
        %add3A_184 = arith.addf %mul3A_175, %mul3A_183 : vector<16xf32>
        %slice3A_185 = vector.extract_strided_slice %get3A_42 {offsets = [6], sizes = [1], strides = [1]} : vector<16xf32> to vector<1xf32>
        %squeeze3A_186 = vector.extract %slice3A_185[0] : f32 from vector<1xf32>
        %get3A_187 = arith.index_cast %scan3A_38 : i32 to index
        %get3A_188 = arith.constant 192 : index
        %get3A_189 = tpu.vector_load %arg11[%get3A_187, %get3A_188] {strides = array<i32>} : memref<80x256xf32, #tpu.memory_space<vmem>>, vector<1x16xf32>,
        %get3A_190 = vector.shape_cast %get3A_189 : vector<1x16xf32> to vector<16xf32>
        %mul3A_191 = vector.broadcast %squeeze3A_186 : f32 to vector<16xf32>
        %mul3A_192 = arith.mulf %mul3A_191, %get3A_190 : vector<16xf32>
        %add3A_193 = arith.addf %add3A_184, %mul3A_192 : vector<16xf32>
        %slice3A_194 = vector.extract_strided_slice %get3A_42 {offsets = [7], sizes = [1], strides = [1]} : vector<16xf32> to vector<1xf32>
        %squeeze3A_195 = vector.extract %slice3A_194[0] : f32 from vector<1xf32>
        %get3A_196 = arith.index_cast %scan3A_38 : i32 to index
        %get3A_197 = arith.constant 208 : index
        %get3A_198 = tpu.vector_load %arg11[%get3A_196, %get3A_197] {strides = array<i32>} : memref<80x256xf32, #tpu.memory_space<vmem>>, vector<1x16xf32>,
        %get3A_199 = vector.shape_cast %get3A_198 : vector<1x16xf32> to vector<16xf32>
        %mul3A_200 = vector.broadcast %squeeze3A_195 : f32 to vector<16xf32>
        %mul3A_201 = arith.mulf %mul3A_200, %get3A_199 : vector<16xf32>
        %add3A_202 = arith.addf %add3A_193, %mul3A_201 : vector<16xf32>
        %slice3A_203 = vector.extract_strided_slice %get3A_42 {offsets = [8], sizes = [1], strides = [1]} : vector<16xf32> to vector<1xf32>
        %squeeze3A_204 = vector.extract %slice3A_203[0] : f32 from vector<1xf32>
        %get3A_205 = arith.index_cast %scan3A_38 : i32 to index
        %get3A_206 = arith.constant 224 : index
        %get3A_207 = tpu.vector_load %arg11[%get3A_205, %get3A_206] {strides = array<i32>} : memref<80x256xf32, #tpu.memory_space<vmem>>, vector<1x16xf32>,
        %get3A_208 = vector.shape_cast %get3A_207 : vector<1x16xf32> to vector<16xf32>
        %mul3A_209 = vector.broadcast %squeeze3A_204 : f32 to vector<16xf32>
        %mul3A_210 = arith.mulf %mul3A_209, %get3A_208 : vector<16xf32>
        %add3A_211 = arith.addf %add3A_202, %mul3A_210 : vector<16xf32>
        %get3A_212 = arith.index_cast %scan3A_38 : i32 to index
        %get3A_213 = arith.constant 96 : index
        %get3A_214 = tpu.vector_load %arg12[%get3A_212, %get3A_213] {strides = array<i32>} : memref<80x128xf32, #tpu.memory_space<vmem>>, vector<1x16xf32>,
        %get3A_215 = vector.shape_cast %get3A_214 : vector<1x16xf32> to vector<16xf32>
        %mul3A_216 = arith.mulf %add3A_211, %get3A_215 : vector<16xf32>
        %mul3A_217 = arith.constant 0.44721359 : f32
        %mul3A_218 = vector.broadcast %mul3A_217 : f32 to vector<16xf32>
        %mul3A_219 = arith.mulf %mul3A_216, %mul3A_218 : vector<16xf32>
        %swap3A_220 = arith.index_cast %scan3A_38 : i32 to index
        %swap3A_221 = arith.constant 96 : index
        %swap3A_222 = tpu.vector_load %arg14[%swap3A_220, %swap3A_221] {strides = array<i32>} : memref<80x128xf32, #tpu.memory_space<vmem>>, vector<1x16xf32>,
        %swap3A_223 = vector.shape_cast %swap3A_222 : vector<1x16xf32> to vector<16xf32>
        %swap3A_224 = vector.shape_cast %mul3A_219 : vector<16xf32> to vector<1x16xf32>
        tpu.vector_store %arg14[%swap3A_220, %swap3A_221], %swap3A_224 {strides = array<i32>} : memref<80x128xf32, #tpu.memory_space<vmem>>, vector<1x16xf32>,
      }
      %scan3A_37 = arith.constant 80 : i32
      "tpu.region"() ({
        %run_scoped3A = tpu.sem_alloc : memref<!tpu.dma_semaphore, #tpu.memory_space<semaphore_mem>>
        %dma_start3A_38 = arith.constant 0 : i32
        %dma_start3A_39 = arith.constant 0 : i32
        %dma_start3A_40 = tpu.memref_slice %arg15[%dma_start3A_38, %dma_start3A_39] : memref<10000x128xf32, #tpu.memory_space<vmem_shared>> -> memref<10000x128xf32, #tpu.memory_space<vmem_shared>>
        tpu.enqueue_indirect_dma source(%arg14 : memref<80x128xf32, #tpu.memory_space<vmem>>) target(%dma_start3A_40 : memref<10000x128xf32, #tpu.memory_space<vmem_shared>>) offsets(%arg10 : memref<80xi32, #tpu.memory_space<vmem>>) semaphore(%run_scoped3A : memref<!tpu.dma_semaphore, #tpu.memory_space<semaphore_mem>>) {add = true}
        %dma_wait3A_41 = arith.constant 0 : i32
        %dma_wait3A_42 = arith.constant 0 : i32
        %dma_wait3A_43 = tpu.memref_slice %arg15[%dma_wait3A_41, %dma_wait3A_42] : memref<10000x128xf32, #tpu.memory_space<vmem_shared>> -> memref<10000x128xf32, #tpu.memory_space<vmem_shared>>
        tpu.wait_indirect_dma semaphore(%run_scoped3A : memref<!tpu.dma_semaphore, #tpu.memory_space<semaphore_mem>>) src(%arg14 : memref<80x128xf32, #tpu.memory_space<vmem>>) dst(%dma_wait3A_43 : memref<10000x128xf32, #tpu.memory_space<vmem_shared>>)
        tpu.yield
      }) : () -> ()
    }
    %scan3A_15 = arith.constant 125 : i32
    %barrier3A_16 = arith.constant 0 : index
    tpu.barrier barrier_id(%barrier3A_16)
    %lt3A_17 = arith.constant 10 : i32
    %lt3A_18 = arith.cmpi slt, %arg1, %lt3A_17 : i32
    %convert_element_type3A_19 = arith.extui %lt3A_18 : i1 to i32
    %cond3A_20 = arith.constant 0 : i32
    %cond3A_21 = arith.cmpi ne, %convert_element_type3A_19, %cond3A_20 : i32
    scf.if %cond3A_21 {
      %mul3A_22 = arith.constant 1000 : i32
      %mul3A_23 = arith.muli %arg1, %mul3A_22 : i32
      %mul3A_24 = arith.constant 1000 : i32
      %mul3A_25 = arith.muli %arg1, %mul3A_24 : i32
      "tpu.region"() ({
        %run_scoped3A = tpu.sem_alloc : memref<!tpu.dma_semaphore, #tpu.memory_space<semaphore_mem>>
        %dma_start3A = arith.constant 0 : i32
        %dma_start3A_26 = tpu.memref_slice %arg8[%arg0, %mul3A_25, %dma_start3A] : memref<2x10000x128xf32, #tpu.memory_space<hbm>> -> memref<1x1000x128xf32, #tpu.memory_space<hbm>>
        %dma_start3A_27 = tpu.memref_squeeze %dma_start3A_26 : memref<1x1000x128xf32, #tpu.memory_space<hbm>> -> memref<1000x128xf32, #tpu.memory_space<hbm>>
        %dma_start3A_28 = arith.constant 0 : i32
        %dma_start3A_29 = tpu.memref_slice %arg15[%mul3A_23, %dma_start3A_28] : memref<10000x128xf32, #tpu.memory_space<vmem_shared>> -> memref<1000x128xf32, #tpu.memory_space<vmem_shared>>
        tpu.enqueue_dma source(%dma_start3A_29 : memref<1000x128xf32, #tpu.memory_space<vmem_shared>>) target(%dma_start3A_27 : memref<1000x128xf32, #tpu.memory_space<hbm>>) target_semaphore(%run_scoped3A : memref<!tpu.dma_semaphore, #tpu.memory_space<semaphore_mem>>)
        %dma_wait3A = arith.constant 0 : i32
        %dma_wait3A_30 = tpu.memref_slice %arg8[%arg0, %mul3A_25, %dma_wait3A] : memref<2x10000x128xf32, #tpu.memory_space<hbm>> -> memref<1x1000x128xf32, #tpu.memory_space<hbm>>
        %dma_wait3A_31 = tpu.memref_squeeze %dma_wait3A_30 : memref<1x1000x128xf32, #tpu.memory_space<hbm>> -> memref<1000x128xf32, #tpu.memory_space<hbm>>
        %dma_wait3A_32 = arith.constant 0 : i32
        %dma_wait3A_33 = tpu.memref_slice %arg15[%mul3A_23, %dma_wait3A_32] : memref<10000x128xf32, #tpu.memory_space<vmem_shared>> -> memref<1000x128xf32, #tpu.memory_space<vmem_shared>>
        tpu.wait_dma2 semaphore(%run_scoped3A : memref<!tpu.dma_semaphore, #tpu.memory_space<semaphore_mem>>) src(%dma_wait3A_33 : memref<1000x128xf32, #tpu.memory_space<vmem_shared>>) dst(%dma_wait3A_31 : memref<1000x128xf32, #tpu.memory_space<hbm>>)
        tpu.yield
      }) : () -> ()
    } else {
    }
    return
  }
}

module attributes {stable_mosaic.version = 14 : i64} {
  func.func @_a1_body(%arg0: i32, %arg1: memref<1000x240xf32, #tpu.memory_space<vmem>>, %arg2: memref<240x256xf32, #tpu.memory_space<vmem>>, %arg3: memref<1000x256xf32, #tpu.memory_space<vmem>>) attributes {dimension_semantics = [#tpu.dimension_semantics<arbitrary>], iteration_bounds = array<i64: 10>, scalar_prefetch = 0 : i64, scratch_operands = 0 : i64, tpu.core_type = #tpu.core_type<tc>, window_params = [{transform_indices = @transform_0, window_bounds = array<i64: 1000, 240>}, {pipeline_mode = #tpu.pipeline_mode<synchronous>, transform_indices = @transform_1, window_bounds = array<i64: 240, 256>}, {transform_indices = @transform_2, window_bounds = array<i64: 1000, 256>}]} {
    %get3A = arith.constant 0 : index
    %get3A_0 = arith.constant 0 : index
    %get3A_1 = vector.load %arg1[%get3A, %get3A_0] : memref<1000x240xf32, #tpu.memory_space<vmem>>, vector<1000x240xf32>
    %get3A_2 = arith.constant 0 : index
    %get3A_3 = arith.constant 0 : index
    %get3A_4 = vector.load %arg2[%get3A_2, %get3A_3] : memref<240x256xf32, #tpu.memory_space<vmem>>, vector<240x256xf32>
    %dot_general3A = arith.constant dense<0.000000e+00> : vector<1000x256xf32>
    %dot_general3A_5 = tpu.matmul %get3A_1, %get3A_4, %dot_general3A {dimension_numbers = #tpu.dot_dimension_numbers<[1], [0], [0], [1], [0, 0, 1, 1], [], []>, transpose_lhs_hint = false} : vector<1000x240xf32>, vector<240x256xf32>, vector<1000x256xf32> -> vector<1000x256xf32>
    %swap3A = arith.constant 0 : index
    %swap3A_6 = arith.constant 0 : index
    %swap3A_7 = vector.load %arg3[%swap3A, %swap3A_6] : memref<1000x256xf32, #tpu.memory_space<vmem>>, vector<1000x256xf32>
    tpu.vector_store %arg3[%swap3A, %swap3A_6], %dot_general3A_5 {strides = array<i32>} : memref<1000x256xf32, #tpu.memory_space<vmem>>, vector<1000x256xf32>,
    return
  }
  func.func @transform_0(%arg0: i32) -> (i32, i32) {
    %c0_i32 = arith.constant 0 : i32
    %c0_i32_0 = arith.constant 0 : i32
    return %arg0, %c0_i32 : i32, i32
  }
  func.func @transform_1(%arg0: i32) -> (i32, i32) {
    %c0_i32 = arith.constant 0 : i32
    %c0_i32_0 = arith.constant 0 : i32
    %c0_i32_1 = arith.constant 0 : i32
    return %c0_i32, %c0_i32_0 : i32, i32
  }
  func.func @transform_2(%arg0: i32) -> (i32, i32) {
    %c0_i32 = arith.constant 0 : i32
    %c0_i32_0 = arith.constant 0 : i32
    return %arg0, %c0_i32 : i32, i32
  }
}

module attributes {stable_mosaic.version = 14 : i64} {
  func.func @_a2_body(%arg0: i32, %arg1: memref<4000x8xf32, #tpu.memory_space<vmem>>, %arg2: memref<4000x16xf32, #tpu.memory_space<vmem>>, %arg3: memref<8x64xf32, #tpu.memory_space<vmem>>, %arg4: memref<64x128xf32, #tpu.memory_space<vmem>>, %arg5: memref<4000x128xf32, #tpu.memory_space<vmem>>) attributes {dimension_semantics = [#tpu.dimension_semantics<arbitrary>], iteration_bounds = array<i64: 80>, scalar_prefetch = 0 : i64, scratch_operands = 0 : i64, tpu.core_type = #tpu.core_type<tc>, window_params = [{transform_indices = @transform_0, window_bounds = array<i64: 4000, 8>}, {transform_indices = @transform_1, window_bounds = array<i64: 4000, 16>}, {pipeline_mode = #tpu.pipeline_mode<synchronous>, transform_indices = @transform_2, window_bounds = array<i64: 8, 64>}, {pipeline_mode = #tpu.pipeline_mode<synchronous>, transform_indices = @transform_3, window_bounds = array<i64: 64, 128>}, {transform_indices = @transform_4, window_bounds = array<i64: 4000, 128>}]} {
    %get3A = arith.constant 0 : index
    %get3A_0 = arith.constant 0 : index
    %get3A_1 = vector.load %arg1[%get3A, %get3A_0] : memref<4000x8xf32, #tpu.memory_space<vmem>>, vector<4000x8xf32>
    %get3A_2 = arith.constant 0 : index
    %get3A_3 = arith.constant 0 : index
    %get3A_4 = vector.load %arg3[%get3A_2, %get3A_3] : memref<8x64xf32, #tpu.memory_space<vmem>>, vector<8x64xf32>
    %dot_general3A = arith.constant dense<0.000000e+00> : vector<4000x64xf32>
    %dot_general3A_5 = tpu.matmul %get3A_1, %get3A_4, %dot_general3A {dimension_numbers = #tpu.dot_dimension_numbers<[1], [0], [0], [1], [0, 0, 1, 1], [], []>, transpose_lhs_hint = false} : vector<4000x8xf32>, vector<8x64xf32>, vector<4000x64xf32> -> vector<4000x64xf32>
    %mul3A = arith.constant 0.353553385 : f32
    %mul3A_6 = vector.broadcast %mul3A : f32 to vector<4000x64xf32>
    %mul3A_7 = arith.mulf %dot_general3A_5, %mul3A_6 : vector<4000x64xf32>
    %neg3A = arith.constant 0.000000e+00 : f32
    %neg3A_8 = vector.broadcast %neg3A : f32 to vector<4000x64xf32>
    %neg3A_9 = arith.subf %neg3A_8, %mul3A_7 : vector<4000x64xf32>
    %exp3A = math.exp %neg3A_9 : vector<4000x64xf32>
    %add3A = arith.constant 1.000000e+00 : f32
    %add3A_10 = vector.broadcast %add3A : f32 to vector<4000x64xf32>
    %add3A_11 = arith.addf %add3A_10, %exp3A : vector<4000x64xf32>
    %div3A = arith.constant 1.000000e+00 : f32
    %div3A_12 = vector.broadcast %div3A : f32 to vector<4000x64xf32>
    %div3A_13 = arith.divf %div3A_12, %add3A_11 : vector<4000x64xf32>
    %mul3A_14 = arith.mulf %mul3A_7, %div3A_13 : vector<4000x64xf32>
    %get3A_15 = arith.constant 0 : index
    %get3A_16 = arith.constant 0 : index
    %get3A_17 = vector.load %arg4[%get3A_15, %get3A_16] : memref<64x128xf32, #tpu.memory_space<vmem>>, vector<64x128xf32>
    %dot_general3A_18 = arith.constant dense<0.000000e+00> : vector<4000x128xf32>
    %dot_general3A_19 = tpu.matmul %mul3A_14, %get3A_17, %dot_general3A_18 {dimension_numbers = #tpu.dot_dimension_numbers<[1], [0], [0], [1], [0, 0, 1, 1], [], []>, transpose_lhs_hint = false} : vector<4000x64xf32>, vector<64x128xf32>, vector<4000x128xf32> -> vector<4000x128xf32>
    %mul3A_20 = arith.constant 1.250000e-01 : f32
    %mul3A_21 = vector.broadcast %mul3A_20 : f32 to vector<4000x128xf32>
    %mul3A_22 = arith.mulf %dot_general3A_19, %mul3A_21 : vector<4000x128xf32>
    %get3A_23 = arith.constant 0 : index
    %get3A_24 = arith.constant 0 : index
    %get3A_25 = vector.load %arg2[%get3A_23, %get3A_24] : memref<4000x16xf32, #tpu.memory_space<vmem>>, vector<4000x1xf32>
    %iota3A = tpu.iota {dimensions = array<i32: 1>} : vector<4000x128xi32>
    %lt3A = arith.constant 64 : i32
    %lt3A_26 = vector.broadcast %lt3A : i32 to vector<4000x128xi32>
    %lt3A_27 = arith.cmpi slt, %iota3A, %lt3A_26 : vector<4000x128xi32>
    %jit3A = arith.constant 1.000000e+00 : f32
    %broadcast_in_dim3A = vector.shape_cast %get3A_25 : vector<4000x1xf32> to vector<4000x1xf32>
    %broadcast_in_dim3A_28 = vector.broadcast %broadcast_in_dim3A : vector<4000x1xf32> to vector<4000x128xf32>
    %broadcast_in_dim3A_29 = vector.broadcast %jit3A : f32 to vector<4000x128xf32>
    %select_n3A = arith.select %lt3A_27, %broadcast_in_dim3A_28, %broadcast_in_dim3A_29 : vector<4000x128xi1>, vector<4000x128xf32>
    %lt3A_30 = arith.constant 112 : i32
    %lt3A_31 = vector.broadcast %lt3A_30 : i32 to vector<4000x128xi32>
    %lt3A_32 = arith.cmpi slt, %iota3A, %lt3A_31 : vector<4000x128xi32>
    %jit3A_33 = arith.constant 0.000000e+00 : f32
    %broadcast_in_dim3A_34 = vector.broadcast %jit3A_33 : f32 to vector<4000x128xf32>
    %select_n3A_35 = arith.select %lt3A_32, %select_n3A, %broadcast_in_dim3A_34 : vector<4000x128xi1>, vector<4000x128xf32>
    %mul3A_36 = arith.mulf %mul3A_22, %select_n3A_35 : vector<4000x128xf32>
    %swap3A = arith.constant 0 : index
    %swap3A_37 = arith.constant 0 : index
    %swap3A_38 = vector.load %arg5[%swap3A, %swap3A_37] : memref<4000x128xf32, #tpu.memory_space<vmem>>, vector<4000x128xf32>
    tpu.vector_store %arg5[%swap3A, %swap3A_37], %mul3A_36 {strides = array<i32>} : memref<4000x128xf32, #tpu.memory_space<vmem>>, vector<4000x128xf32>,
    return
  }
  func.func @transform_0(%arg0: i32) -> (i32, i32) {
    %c0_i32 = arith.constant 0 : i32
    %c0_i32_0 = arith.constant 0 : i32
    return %arg0, %c0_i32 : i32, i32
  }
  func.func @transform_1(%arg0: i32) -> (i32, i32) {
    %c0_i32 = arith.constant 0 : i32
    %c0_i32_0 = arith.constant 0 : i32
    return %arg0, %c0_i32 : i32, i32
  }
  func.func @transform_2(%arg0: i32) -> (i32, i32) {
    %c0_i32 = arith.constant 0 : i32
    %c0_i32_0 = arith.constant 0 : i32
    %c0_i32_1 = arith.constant 0 : i32
    return %c0_i32, %c0_i32_0 : i32, i32
  }
  func.func @transform_3(%arg0: i32) -> (i32, i32) {
    %c0_i32 = arith.constant 0 : i32
    %c0_i32_0 = arith.constant 0 : i32
    %c0_i32_1 = arith.constant 0 : i32
    return %c0_i32, %c0_i32_0 : i32, i32
  }
  func.func @transform_4(%arg0: i32) -> (i32, i32) {
    %c0_i32 = arith.constant 0 : i32
    %c0_i32_0 = arith.constant 0 : i32
    return %arg0, %c0_i32 : i32, i32
  }
}

module attributes {stable_mosaic.version = 14 : i64} {
  func.func @_c_body(%arg0: i32, %arg1: memref<2x1000x128xf32, #tpu.memory_space<vmem>>, %arg2: memref<1000x64xf32, #tpu.memory_space<vmem>>, %arg3: memref<1000x4xf32, #tpu.memory_space<vmem>>, %arg4: memref<96x64xf32, #tpu.memory_space<vmem>>, %arg5: memref<112x64xf32, #tpu.memory_space<vmem>>, %arg6: memref<64x256xf32, #tpu.memory_space<vmem>>, %arg7: memref<64x256xf32, #tpu.memory_space<vmem>>, %arg8: memref<1000x128xf32, #tpu.memory_space<vmem>>) attributes {dimension_semantics = [#tpu.dimension_semantics<arbitrary>], iteration_bounds = array<i64: 10>, scalar_prefetch = 0 : i64, scratch_operands = 0 : i64, tpu.core_type = #tpu.core_type<tc>, window_params = [{transform_indices = @transform_0, window_bounds = array<i64: 2, 1000, 128>}, {transform_indices = @transform_1, window_bounds = array<i64: 1000, 64>}, {transform_indices = @transform_2, window_bounds = array<i64: 1000, 4>}, {pipeline_mode = #tpu.pipeline_mode<synchronous>, transform_indices = @transform_3, window_bounds = array<i64: 96, 64>}, {pipeline_mode = #tpu.pipeline_mode<synchronous>, transform_indices = @transform_4, window_bounds = array<i64: 112, 64>}, {pipeline_mode = #tpu.pipeline_mode<synchronous>, transform_indices = @transform_5, window_bounds = array<i64: 64, 256>}, {pipeline_mode = #tpu.pipeline_mode<synchronous>, transform_indices = @transform_6, window_bounds = array<i64: 64, 256>}, {transform_indices = @transform_7, window_bounds = array<i64: 1000, 128>}]} {
    %get3A = arith.constant 0 : index
    %get3A_0 = arith.constant 0 : index
    %get3A_1 = arith.constant 0 : index
    %get3A_2 = vector.load %arg1[%get3A, %get3A_0, %get3A_1] : memref<2x1000x128xf32, #tpu.memory_space<vmem>>, vector<1x1000x112xf32>
    %get3A_3 = vector.shape_cast %get3A_2 : vector<1x1000x112xf32> to vector<1000x112xf32>
    %get3A_4 = arith.constant 1 : index
    %get3A_5 = arith.constant 0 : index
    %get3A_6 = arith.constant 0 : index
    %get3A_7 = vector.load %arg1[%get3A_4, %get3A_5, %get3A_6] : memref<2x1000x128xf32, #tpu.memory_space<vmem>>, vector<1x1000x112xf32>
    %get3A_8 = vector.shape_cast %get3A_7 : vector<1x1000x112xf32> to vector<1000x112xf32>
    %add3A = arith.addf %get3A_3, %get3A_8 : vector<1000x112xf32>
    %mul3A = arith.constant 0.176776692 : f32
    %mul3A_9 = vector.broadcast %mul3A : f32 to vector<1000x112xf32>
    %mul3A_10 = arith.mulf %add3A, %mul3A_9 : vector<1000x112xf32>
    %slice3A = vector.extract_strided_slice %mul3A_10 {offsets = [0, 0], sizes = [1000, 96], strides = [1, 1]} : vector<1000x112xf32> to vector<1000x96xf32>
    %get3A_11 = arith.constant 0 : index
    %get3A_12 = arith.constant 0 : index
    %get3A_13 = vector.load %arg4[%get3A_11, %get3A_12] : memref<96x64xf32, #tpu.memory_space<vmem>>, vector<96x64xf32>
    %dot_general3A = arith.constant dense<0.000000e+00> : vector<1000x64xf32>
    %dot_general3A_14 = tpu.matmul %slice3A, %get3A_13, %dot_general3A {dimension_numbers = #tpu.dot_dimension_numbers<[1], [0], [0], [1], [0, 0, 1, 1], [], []>, transpose_lhs_hint = false} : vector<1000x96xf32>, vector<96x64xf32>, vector<1000x64xf32> -> vector<1000x64xf32>
    %mul3A_15 = arith.constant 0.102062076 : f32
    %mul3A_16 = vector.broadcast %mul3A_15 : f32 to vector<1000x64xf32>
    %mul3A_17 = arith.mulf %dot_general3A_14, %mul3A_16 : vector<1000x64xf32>
    %get3A_18 = arith.constant 0 : index
    %get3A_19 = arith.constant 0 : index
    %get3A_20 = vector.load %arg5[%get3A_18, %get3A_19] : memref<112x64xf32, #tpu.memory_space<vmem>>, vector<112x64xf32>
    %dot_general3A_21 = arith.constant dense<0.000000e+00> : vector<1000x64xf32>
    %dot_general3A_22 = tpu.matmul %mul3A_10, %get3A_20, %dot_general3A_21 {dimension_numbers = #tpu.dot_dimension_numbers<[1], [0], [0], [1], [0, 0, 1, 1], [], []>, transpose_lhs_hint = false} : vector<1000x112xf32>, vector<112x64xf32>, vector<1000x64xf32> -> vector<1000x64xf32>
    %mul3A_23 = arith.constant 0.0944911167 : f32
    %mul3A_24 = vector.broadcast %mul3A_23 : f32 to vector<1000x64xf32>
    %mul3A_25 = arith.mulf %dot_general3A_22, %mul3A_24 : vector<1000x64xf32>
    %get3A_26 = arith.constant 0 : index
    %get3A_27 = arith.constant 0 : index
    %get3A_28 = vector.load %arg2[%get3A_26, %get3A_27] : memref<1000x64xf32, #tpu.memory_space<vmem>>, vector<1000x64xf32>
    %get3A_29 = arith.constant 0 : index
    %get3A_30 = arith.constant 0 : index
    %get3A_31 = vector.load %arg6[%get3A_29, %get3A_30] : memref<64x256xf32, #tpu.memory_space<vmem>>, vector<64x256xf32>
    %dot_general3A_32 = arith.constant dense<0.000000e+00> : vector<1000x256xf32>
    %dot_general3A_33 = tpu.matmul %get3A_28, %get3A_31, %dot_general3A_32 {dimension_numbers = #tpu.dot_dimension_numbers<[1], [0], [0], [1], [0, 0, 1, 1], [], []>, transpose_lhs_hint = false} : vector<1000x64xf32>, vector<64x256xf32>, vector<1000x256xf32> -> vector<1000x256xf32>
    %get3A_34 = arith.constant 0 : index
    %get3A_35 = arith.constant 0 : index
    %get3A_36 = vector.load %arg7[%get3A_34, %get3A_35] : memref<64x256xf32, #tpu.memory_space<vmem>>, vector<64x256xf32>
    %dot_general3A_37 = arith.constant dense<0.000000e+00> : vector<1000x256xf32>
    %dot_general3A_38 = tpu.matmul %get3A_28, %get3A_36, %dot_general3A_37 {dimension_numbers = #tpu.dot_dimension_numbers<[1], [0], [0], [1], [0, 0, 1, 1], [], []>, transpose_lhs_hint = false} : vector<1000x64xf32>, vector<64x256xf32>, vector<1000x256xf32> -> vector<1000x256xf32>
    %get3A_39 = arith.constant 0 : index
    %get3A_40 = arith.constant 0 : index
    %get3A_41 = vector.load %arg3[%get3A_39, %get3A_40] : memref<1000x4xf32, #tpu.memory_space<vmem>>, vector<1000x4xf32>
    %slice3A_42 = vector.extract_strided_slice %get3A_41 {offsets = [0, 0], sizes = [1000, 1], strides = [1, 1]} : vector<1000x4xf32> to vector<1000x1xf32>
    %slice3A_43 = vector.extract_strided_slice %dot_general3A_33 {offsets = [0, 0], sizes = [1000, 64], strides = [1, 1]} : vector<1000x256xf32> to vector<1000x64xf32>
    %mul3A_44 = vector.broadcast %slice3A_42 : vector<1000x1xf32> to vector<1000x64xf32>
    %mul3A_45 = arith.mulf %mul3A_44, %slice3A_43 : vector<1000x64xf32>
    %slice3A_46 = vector.extract_strided_slice %get3A_41 {offsets = [0, 0], sizes = [1000, 1], strides = [1, 1]} : vector<1000x4xf32> to vector<1000x1xf32>
    %slice3A_47 = vector.extract_strided_slice %dot_general3A_38 {offsets = [0, 0], sizes = [1000, 64], strides = [1, 1]} : vector<1000x256xf32> to vector<1000x64xf32>
    %mul3A_48 = vector.broadcast %slice3A_46 : vector<1000x1xf32> to vector<1000x64xf32>
    %mul3A_49 = arith.mulf %mul3A_48, %slice3A_47 : vector<1000x64xf32>
    %slice3A_50 = vector.extract_strided_slice %get3A_41 {offsets = [0, 1], sizes = [1000, 1], strides = [1, 1]} : vector<1000x4xf32> to vector<1000x1xf32>
    %slice3A_51 = vector.extract_strided_slice %dot_general3A_33 {offsets = [0, 64], sizes = [1000, 64], strides = [1, 1]} : vector<1000x256xf32> to vector<1000x64xf32>
    %mul3A_52 = vector.broadcast %slice3A_50 : vector<1000x1xf32> to vector<1000x64xf32>
    %mul3A_53 = arith.mulf %mul3A_52, %slice3A_51 : vector<1000x64xf32>
    %add3A_54 = arith.addf %mul3A_45, %mul3A_53 : vector<1000x64xf32>
    %slice3A_55 = vector.extract_strided_slice %get3A_41 {offsets = [0, 1], sizes = [1000, 1], strides = [1, 1]} : vector<1000x4xf32> to vector<1000x1xf32>
    %slice3A_56 = vector.extract_strided_slice %dot_general3A_38 {offsets = [0, 64], sizes = [1000, 64], strides = [1, 1]} : vector<1000x256xf32> to vector<1000x64xf32>
    %mul3A_57 = vector.broadcast %slice3A_55 : vector<1000x1xf32> to vector<1000x64xf32>
    %mul3A_58 = arith.mulf %mul3A_57, %slice3A_56 : vector<1000x64xf32>
    %add3A_59 = arith.addf %mul3A_49, %mul3A_58 : vector<1000x64xf32>
    %slice3A_60 = vector.extract_strided_slice %get3A_41 {offsets = [0, 2], sizes = [1000, 1], strides = [1, 1]} : vector<1000x4xf32> to vector<1000x1xf32>
    %slice3A_61 = vector.extract_strided_slice %dot_general3A_33 {offsets = [0, 128], sizes = [1000, 64], strides = [1, 1]} : vector<1000x256xf32> to vector<1000x64xf32>
    %mul3A_62 = vector.broadcast %slice3A_60 : vector<1000x1xf32> to vector<1000x64xf32>
    %mul3A_63 = arith.mulf %mul3A_62, %slice3A_61 : vector<1000x64xf32>
    %add3A_64 = arith.addf %add3A_54, %mul3A_63 : vector<1000x64xf32>
    %slice3A_65 = vector.extract_strided_slice %get3A_41 {offsets = [0, 2], sizes = [1000, 1], strides = [1, 1]} : vector<1000x4xf32> to vector<1000x1xf32>
    %slice3A_66 = vector.extract_strided_slice %dot_general3A_38 {offsets = [0, 128], sizes = [1000, 64], strides = [1, 1]} : vector<1000x256xf32> to vector<1000x64xf32>
    %mul3A_67 = vector.broadcast %slice3A_65 : vector<1000x1xf32> to vector<1000x64xf32>
    %mul3A_68 = arith.mulf %mul3A_67, %slice3A_66 : vector<1000x64xf32>
    %add3A_69 = arith.addf %add3A_59, %mul3A_68 : vector<1000x64xf32>
    %slice3A_70 = vector.extract_strided_slice %get3A_41 {offsets = [0, 3], sizes = [1000, 1], strides = [1, 1]} : vector<1000x4xf32> to vector<1000x1xf32>
    %slice3A_71 = vector.extract_strided_slice %dot_general3A_33 {offsets = [0, 192], sizes = [1000, 64], strides = [1, 1]} : vector<1000x256xf32> to vector<1000x64xf32>
    %mul3A_72 = vector.broadcast %slice3A_70 : vector<1000x1xf32> to vector<1000x64xf32>
    %mul3A_73 = arith.mulf %mul3A_72, %slice3A_71 : vector<1000x64xf32>
    %add3A_74 = arith.addf %add3A_64, %mul3A_73 : vector<1000x64xf32>
    %slice3A_75 = vector.extract_strided_slice %get3A_41 {offsets = [0, 3], sizes = [1000, 1], strides = [1, 1]} : vector<1000x4xf32> to vector<1000x1xf32>
    %slice3A_76 = vector.extract_strided_slice %dot_general3A_38 {offsets = [0, 192], sizes = [1000, 64], strides = [1, 1]} : vector<1000x256xf32> to vector<1000x64xf32>
    %mul3A_77 = vector.broadcast %slice3A_75 : vector<1000x1xf32> to vector<1000x64xf32>
    %mul3A_78 = arith.mulf %mul3A_77, %slice3A_76 : vector<1000x64xf32>
    %add3A_79 = arith.addf %add3A_69, %mul3A_78 : vector<1000x64xf32>
    %mul3A_80 = arith.constant 6.250000e-02 : f32
    %mul3A_81 = vector.broadcast %mul3A_80 : f32 to vector<1000x64xf32>
    %mul3A_82 = arith.mulf %add3A_74, %mul3A_81 : vector<1000x64xf32>
    %add3A_83 = arith.addf %mul3A_17, %mul3A_82 : vector<1000x64xf32>
    %mul3A_84 = arith.constant 6.250000e-02 : f32
    %mul3A_85 = vector.broadcast %mul3A_84 : f32 to vector<1000x64xf32>
    %mul3A_86 = arith.mulf %add3A_79, %mul3A_85 : vector<1000x64xf32>
    %add3A_87 = arith.addf %mul3A_25, %mul3A_86 : vector<1000x64xf32>
    %neg3A = arith.constant 0.000000e+00 : f32
    %neg3A_88 = vector.broadcast %neg3A : f32 to vector<1000x64xf32>
    %neg3A_89 = arith.subf %neg3A_88, %add3A_83 : vector<1000x64xf32>
    %exp3A = math.exp %neg3A_89 : vector<1000x64xf32>
    %add3A_90 = arith.constant 1.000000e+00 : f32
    %add3A_91 = vector.broadcast %add3A_90 : f32 to vector<1000x64xf32>
    %add3A_92 = arith.addf %add3A_91, %exp3A : vector<1000x64xf32>
    %div3A = arith.constant 1.000000e+00 : f32
    %div3A_93 = vector.broadcast %div3A : f32 to vector<1000x64xf32>
    %div3A_94 = arith.divf %div3A_93, %add3A_92 : vector<1000x64xf32>
    %mul3A_95 = arith.mulf %add3A_83, %div3A_94 : vector<1000x64xf32>
    %neg3A_96 = arith.constant 0.000000e+00 : f32
    %neg3A_97 = vector.broadcast %neg3A_96 : f32 to vector<1000x64xf32>
    %neg3A_98 = arith.subf %neg3A_97, %add3A_87 : vector<1000x64xf32>
    %exp3A_99 = math.exp %neg3A_98 : vector<1000x64xf32>
    %add3A_100 = arith.constant 1.000000e+00 : f32
    %add3A_101 = vector.broadcast %add3A_100 : f32 to vector<1000x64xf32>
    %add3A_102 = arith.addf %add3A_101, %exp3A_99 : vector<1000x64xf32>
    %div3A_103 = arith.constant 1.000000e+00 : f32
    %div3A_104 = vector.broadcast %div3A_103 : f32 to vector<1000x64xf32>
    %div3A_105 = arith.divf %div3A_104, %add3A_102 : vector<1000x64xf32>
    %mul3A_106 = arith.mulf %add3A_87, %div3A_105 : vector<1000x64xf32>
    %swap3A = arith.constant 0 : index
    %swap3A_107 = arith.constant 0 : index
    %swap3A_108 = vector.load %arg8[%swap3A, %swap3A_107] : memref<1000x128xf32, #tpu.memory_space<vmem>>, vector<1000x64xf32>
    tpu.vector_store %arg8[%swap3A, %swap3A_107], %mul3A_95 {strides = array<i32>} : memref<1000x128xf32, #tpu.memory_space<vmem>>, vector<1000x64xf32>,
    %swap3A_109 = arith.constant 0 : index
    %swap3A_110 = arith.constant 64 : index
    %swap3A_111 = vector.load %arg8[%swap3A_109, %swap3A_110] : memref<1000x128xf32, #tpu.memory_space<vmem>>, vector<1000x64xf32>
    tpu.vector_store %arg8[%swap3A_109, %swap3A_110], %mul3A_106 {strides = array<i32>} : memref<1000x128xf32, #tpu.memory_space<vmem>>, vector<1000x64xf32>,
    return
  }
  func.func @transform_0(%arg0: i32) -> (i32, i32, i32) {
    %c0_i32 = arith.constant 0 : i32
    %c0_i32_0 = arith.constant 0 : i32
    %c0_i32_1 = arith.constant 0 : i32
    return %c0_i32, %arg0, %c0_i32_0 : i32, i32, i32
  }
  func.func @transform_1(%arg0: i32) -> (i32, i32) {
    %c0_i32 = arith.constant 0 : i32
    %c0_i32_0 = arith.constant 0 : i32
    return %arg0, %c0_i32 : i32, i32
  }
  func.func @transform_2(%arg0: i32) -> (i32, i32) {
    %c0_i32 = arith.constant 0 : i32
    %c0_i32_0 = arith.constant 0 : i32
    return %arg0, %c0_i32 : i32, i32
  }
  func.func @transform_3(%arg0: i32) -> (i32, i32) {
    %c0_i32 = arith.constant 0 : i32
    %c0_i32_0 = arith.constant 0 : i32
    %c0_i32_1 = arith.constant 0 : i32
    return %c0_i32, %c0_i32_0 : i32, i32
  }
  func.func @transform_4(%arg0: i32) -> (i32, i32) {
    %c0_i32 = arith.constant 0 : i32
    %c0_i32_0 = arith.constant 0 : i32
    %c0_i32_1 = arith.constant 0 : i32
    return %c0_i32, %c0_i32_0 : i32, i32
  }
  func.func @transform_5(%arg0: i32) -> (i32, i32) {
    %c0_i32 = arith.constant 0 : i32
    %c0_i32_0 = arith.constant 0 : i32
    %c0_i32_1 = arith.constant 0 : i32
    return %c0_i32, %c0_i32_0 : i32, i32
  }
  func.func @transform_6(%arg0: i32) -> (i32, i32) {
    %c0_i32 = arith.constant 0 : i32
    %c0_i32_0 = arith.constant 0 : i32
    %c0_i32_1 = arith.constant 0 : i32
    return %c0_i32, %c0_i32_0 : i32, i32
  }
  func.func @transform_7(%arg0: i32) -> (i32, i32) {
    %c0_i32 = arith.constant 0 : i32
    %c0_i32_0 = arith.constant 0 : i32
    return %arg0, %c0_i32 : i32, i32
  }
}

</mosaic_0001>

<sc_bundles>
// kernel: kernel.6.cloned.1.call-start
scs
__scs_entry_jumppad:
0x0: {  	(pc) =	sbr.rel $0x88, $3  }
0x1: {  	(tag) =	ssettag $0x0;
	lr =	simm.s32 $0x1  }
0x2: {  	[smem:$0x3F93] =	sst lr;
	_ =	strace $0xD0000000  }
0x3: {  	_ = 	snop  }
0x4: {  	_ = 	snop  }
0x5: {  	_ = 	snop  }
0x6: {  	_ = 	snop  }
0x7: {  	_ = 	snop  }
__scs_overlays_trampoline_lowered:
0x8: {  	[smem:$0x3FA2] =	sst s0  }
0x9: {  	[smem:$0x3FA3] =	sst s1  }
0xa: {  	[smem:$0x3FA4] =	sst s2  }
0xb: {  	[smem:$0x3FA5] =	sst s3  }
0xc: {  	[smem:$0x3FA6] =	sst s4  }
0xd: {  	[smem:$0x3FA7] =	sst s5  }
0xe: {  	[smem:$0x3FA8] =	sst s6  }
0xf: {  	[smem:$0x3FA9] =	sst s7  }
0x10: {  	[smem:$0x3FAA] =	sst s8  }
0x11: {  	[smem:$0x3FAB] =	sst s9;
	s0 =	simm.s32 @!p0 $0x0  }
0x12: {  	s1 =	sld [smem:$0x3F91];
	s0 =	simm.s32 @p0 $0x1  }
0x13: {  	[smem:$0x3FAC] =	sst s0;
	s0 =	simm.s32 @!p1 $0x0  }
0x14: {  	s2 =	sld [smem:$0x3F90];
	s0 =	simm.s32 @p1 $0x1  }
0x15: {  	[smem:$0x3FAD] =	sst s0;
	s0 =	simm.s32 @!p2 $0x0  }
0x16: {  	s3 =	sld [smem:$0x3FDB];
	s0 =	simm.s32 @p2 $0x1  }
0x17: {  	s4 =	simm.s32 $0x1BF5;
	[smem:$0x3FAF] =	sst s0  }
0x18: {  	s0 =	sld [smem:$0x3F92];
	_ =	swait.ge [sflag:s4], $0x0  }
0x19: {  	s7 =	sld [smem:$0x3F93]  }
0x1a: {  	s8 =	sadd.s32 $0xFFFFE003, lr  }
0x1b: {  	s9 =	sadd.s32 $0xFFFFFEF7, lr;
	s5 =	simm.s32 $0xFFFFFFFF;
	p2 =	slt.u32 s8, $0xFFFFF086  }
0x1c: {  	p1 =	slt.u32 s9, $0xF7A;
	s5 =	simm.s32 @!p2 $0x0  }
0x1d: {  	s5 =	simm.s32 @p1 $0x1;
	p0 =	seq.s32 s7, s2  }
0x1e: {  	s7 =	smul.u32 @!p0 $0xF7A, s2;
	p2 =	seq.s32 @!p0 s5, $0x0  }
0x1f: {  	s9 =	smul.u32 $0xF7A, s1;
	s8 =	simm.s32 @!p0 $0x1BF5;
	p2 =	por !p2, p0  }
0x20: {  	[sflag:s8] =	ssyncset.s32 @!p0 $0xFFFFF086;
	s6 =	sadd.s32 @!p0 s3, s7;
	s7 =	simm.s32 @!p0 $0x108  }
0x21: {  	s3 =	sadd.s32 s3, s9;
	s6 =	sadd.s32 @!p0 $0x88, s6;
	s7 =	simm.s32 @p2 $0x1082  }
0x22: {  	[simem:s7], [sflag:s8] =	dma.local @!p0 [hbm:s6], $0xF7A  }
0x23: {  	s9 =	sor.u32 $0xD0000000, s2;
	s6 =	simm.s32 $0x108;
	_ =	swait.ge @!p0 [sflag:s8], $0x0  }
0x24: {  	s3 =	sadd.s32 $0x88, s3;
	s6 =	simm.s32 @!p1 $0x1082;
	[sflag:s4] =	ssyncset.s32 $0xFFFFF086  }
0x25: {  	[simem:s6], [sflag:s4] =	dma.local [hbm:s3], $0xF7A  }
0x26: {  	[smem:$0x3F93] =	sst s1;
	(tag) =	ssettag s2;
	_ =	strace s9  }
0x27: {  	s1 =	sld [smem:$0x3FA3]  }
0x28: {  	s2 =	sld [smem:$0x3FA4]  }
0x29: {  	s4 =	sld [smem:$0x3FA6]  }
0x2a: {  	p0 =	seq.s32 s5, $0x0;
	s5 =	sld [smem:$0x3FA7]  }
0x2b: {  	s6 =	sld [smem:$0x3FA8]  }
0x2c: {  	s7 =	sld [smem:$0x3FA9]  }
0x2d: {  	s3 =	simm.s32 $0x108;
	s8 =	sld [smem:$0x3FAA]  }
0x2e: {  	s3 =	simm.s32 @!p0 $0x1082;
	s9 =	sld [smem:$0x3FAB]  }
0x2f: {  	lr =	sadd.s32 s0, s3;
	s0 =	sld [smem:$0x3FA2]  }
0x30: {  	s3 =	sld [smem:$0x3FA5]  }
0x31: {  	[smem:$0x3FAE] =	sst s10  }
0x32: {  	s10 =	sld [smem:$0x3FAC];
	_ =	sdelay $0x3  }
0x33: {  	p0 =	seq.s32 s10, $0x1;
	s10 =	sld [smem:$0x3FAE];
	_ =	sdelay $0x3  }
0x34: {  	[smem:$0x3FAE] =	sst s10  }
0x35: {  	s10 =	sld [smem:$0x3FAD];
	_ =	sdelay $0x3  }
0x36: {  	p1 =	seq.s32 s10, $0x1;
	s10 =	sld [smem:$0x3FAE];
	_ =	sdelay $0x3  }
0x37: {  	[smem:$0x3FAE] =	sst s10  }
0x38: {  	s10 =	sld [smem:$0x3FAF]  }
0x39: {  	_ = 	snop;
	(pc) =	sbr.ind lr, $3  }
0x3a: {  	_ = 	snop  }
0x3b: {  	_ = 	snop  }
0x3c: {  	p2 =	seq.s32 s10, $0x1;
	s10 =	sld [smem:$0x3FAE]  }
0x3d: {  	_ =	shalt  }
0x3e: {  	_ =	shalt  }
0x3f: {  	_ =	shalt  }
0x40: {  	_ =	shalt  }
0x41: {  	_ =	shalt  }
0x42: {  	_ =	shalt  }
0x43: {  	_ =	shalt  }
0x44: {  	_ =	shalt  }
0x45: {  	_ =	shalt  }
0x46: {  	_ =	shalt  }
0x47: {  	_ =	shalt  }
0x48: {  	_ =	shalt  }
0x49: {  	_ =	shalt  }
0x4a: {  	_ =	shalt  }
0x4b: {  	_ =	shalt  }
0x4c: {  	_ =	shalt  }
0x4d: {  	_ =	shalt  }
0x4e: {  	_ =	shalt  }
0x4f: {  	_ =	shalt  }
0x50: {  	_ =	shalt  }
0x51: {  	_ =	shalt  }
0x52: {  	_ =	shalt  }
0x53: {  	_ =	shalt  }
0x54: {  	_ =	shalt  }
0x55: {  	_ =	shalt  }
0x56: {  	_ =	shalt  }
0x57: {  	_ =	shalt  }
0x58: {  	_ =	shalt  }
0x59: {  	_ =	shalt  }
0x5a: {  	_ =	shalt  }
0x5b: {  	_ =	shalt  }
0x5c: {  	_ =	shalt  }
0x5d: {  	_ =	shalt  }
0x5e: {  	_ =	shalt  }
0x5f: {  	_ =	shalt  }
0x60: {  	_ =	shalt  }
0x61: {  	_ =	shalt  }
0x62: {  	_ =	shalt  }
0x63: {  	_ =	shalt  }
0x64: {  	_ =	shalt  }
0x65: {  	_ =	shalt  }
0x66: {  	_ =	shalt  }
0x67: {  	_ =	shalt  }
0x68: {  	_ =	shalt  }
0x69: {  	_ =	shalt  }
0x6a: {  	_ =	shalt  }
0x6b: {  	_ =	shalt  }
0x6c: {  	_ =	shalt  }
0x6d: {  	_ =	shalt  }
0x6e: {  	_ =	shalt  }
0x6f: {  	_ =	shalt  }
0x70: {  	_ =	shalt  }
0x71: {  	_ =	shalt  }
0x72: {  	_ =	shalt  }
0x73: {  	_ =	shalt  }
0x74: {  	_ =	shalt  }
0x75: {  	_ =	shalt  }
0x76: {  	_ =	shalt  }
0x77: {  	_ =	shalt  }
0x78: {  	_ =	shalt  }
0x79: {  	_ =	shalt  }
0x7a: {  	_ =	shalt  }
0x7b: {  	_ =	shalt  }
0x7c: {  	_ =	shalt  }
0x7d: {  	_ =	shalt  }
0x7e: {  	_ =	shalt  }
0x7f: {  	_ =	shalt  }
0x80: {  	_ =	shalt  }
0x81: {  	_ =	shalt  }
0x82: {  	_ =	shalt  }
0x83: {  	_ =	shalt  }
0x84: {  	_ =	shalt  }
0x85: {  	_ =	shalt  }
0x86: {  	_ =	shalt  }
0x87: {  	_ =	shalt  }
.Lfunc_end0:
.L_simem_size_0:
called_computation_lowered:
.L_overlay_start_0:
0x88: {  	s2 =	sld [smem:$0x3FD9]  }
0x89: {  	s3 =	sld [smem:$0x3FFE];
	_ =	sdelay $0x1  }
0x8a: {  	s1 =	srdreg.scid  }
0x8b: {  	s0 =	sand.u32 $0x1, s1  }
0x8c: {  	s17 =	sshll.u32 s0, $0xA;
	s2 =	sadd.s32 s3, s2  }
0x8d: {  	s2 =	sadd.s32 s2, s17  }
0x8e: {  	[smem:$0x3FBA] =	sst s2  }
0x8f: {  	_ = 	snop  }
0x90: {  	s2 =	sld [smem:$0x3FD0];
	(tm) =	ssettm $0x1  }
0x91: {  	s18 =	sld [smem:$0x3FFB];
	_ =	sdelay $0x3  }
0x92: {  	_ =	strace s18  }
0x93: {  	s3 =	sld [smem:$0x3FFC];
	_ =	sdelay $0x3  }
0x94: {  	_ =	strace s3  }
0x95: {  	s3 =	sld [smem:$0x3FFD];
	_ =	sdelay $0x3  }
0x96: {  	_ =	strace s3  }
0x97: {  	_ =	strace $0x8FFFFFFF  }
0x98: {  	s19 =	sld [smem:$0x3FDB];
	_ =	sdelay $0x1  }
0x99: {  	s4 =	simm.s32 $_scs_section_size  }
0x9a: {  	s5 =	simm.s32 $_size__tile_overlayer_lowered;
	s6 =	simm.s32 $_tile_overlayer_lowered  }
0x9b: {  	s22 =	simm.s32 $0x1BFF;
	s21 =	sshll.u32 s6, $0x1;
	s3 =	sadd.s32 s4, s19  }
0x9c: {  	s7 =	simm.s32 $0x0;
	s20 =	sshll.u32 s5, $0x1;
	s5 =	sadd.s32 s21, s3  }
0x9d: {  	[timem:s7], [sflag:s22] =	dma.local [hbm:s5], s20  }
0x9e: {  	_ =	swait.ge [sflag:s22], s20  }
0x9f: {  	s4 =	ssub.s32 $0x0, s20;
	[sflag:s22] =	ssyncset.done $0x0  }
0xa0: {  	[sflag:s22] =	ssyncadd.s32 s4;
	_ =	sdelay $0x1  }
0xa1: {  	s23 =	simm.s32 $0x1B8B  }
0xa2: {  	_ =	swait.ge [sflag:s23], $0x1  }
0xa3: {  	[sflag:s23] =	ssyncset.done $0x0  }
0xa4: {  	s25 =	simm.s32 $0x1B8E;
	s24 =	sld [smem:$0x3FFE];
	[sflag:s23] =	ssyncadd.s32 $0xFFFFFFFF  }
0xa5: {  	s26 =	simm.s32 $execute0_lowered;
	[smem:$0x3FD2] =	sst s25  }
0xa6: {  	s5 =	sshll.u32 s26, $0x1;
	_ =	strace $0x80000046;
	[dreg:$0x1] =	wrdreg $0xFFFFFFFF  }
0xa7: {  	s28 =	simm.s32 $_size_execute0_lowered;
	s3 =	sadd.s32 s3, s5;
	[dreg:$0x0] =	wrdreg $0x0  }
0xa8: {  	s5 =	sshll.u32 s28, $0x1;
	[dreg:$0x2] =	wrdreg s3  }
0xa9: {  	[dreg:$0x3] =	wrdreg s5  }
0xaa: {  	[dreg:$0x4] =	wrdreg $0xC0  }
0xab: {  	_ =	task [dreg:s7], $0x5FFFF  }
0xac: {  	[dreg:$0x1] =	wrdreg $0xFFFFFFFF  }
0xad: {  	[dreg:$0x0] =	wrdreg $0x60  }
0xae: {  	[dreg:$0x2] =	wrdreg s24  }
0xaf: {  	[dreg:$0x3] =	wrdreg s2  }
0xb0: {  	[dreg:$0x4] =	wrdreg $0xA6000  }
0xb1: {  	[dreg:$0x5] =	wrdreg $0x9  }
0xb2: {  	_ =	task.clear_ibuf [dreg:s7], $0x6FFFF;
	_ =	strace $0x90000046  }
0xb3: {  	s29 =	simm.s32 $0x9;
	_ =	strace $0x80000048  }
0xb4: {  	_ =	swait.ge [sflag:s29], $0x1  }
0xb5: {  	[sflag:s29] =	ssyncadd.s32 $0xFFFFFFFF  }
0xb6: {  	_ =	strace $0x90000048  }
0xb7: {  	_ =	sfence  }
0xb8: {  	s30 =	sld [smem:$0x0];
	_ =	sdelay $0x2  }
0xb9: {  	s31 =	sshll.u32 s1, $0xD;
	s1 =	sshrl.u32 s1, $0x2  }
0xba: {  	s3 =	sand.u32 $0x4000, s31;
	s1 =	sadd.s32 s1, s30  }
0xbb: {  	s0 =	sor.u32 s3, s0;
	s1 =	sshll.u32 s1, $0x11  }
0xbc: {  	s0 =	sor.u32 s1, s0  }
0xbd: {  	s0 =	sadd.s32 $0x8F2B, s0  }
0xbe: {  	[sflag:s0] =	ssyncadd.remote.s32 $0x1  }
0xbf: {  	_ =	sfence.sel $0xFFFF  }
0xc0: {  	[dreg:$0x0] =	wrdreg $0xFFFFFFFF;
	(pc) =	sbr.abs _section_cstart, $3  }
0xc1: {  	[dreg:$0x1] =	wrdreg $0xFFFFFFFF  }
0xc2: {  	_ =	task.clear_ibuf [dreg:s7], $0x2FFFF;
	_ =	strace $0x9FFFFFFF  }
0xc3: {  	(tm) =	ssettm $0x7FFFFFFF  }
tec
execute0_lowered:
.L_overlay_start_1:
0x0: {  	(tag) =	ssettag $0x1  }
0x1: {  	s0 =	rddreg [dreg:$0x0]  }
0x2: {  	s2 =	rddreg [dreg:$0x2];
	s12 =	simm.s32 $0x0  }
0x3: {  	s1 =	srdreg.scid;
	s11 =	stileid.u32;
	s15 =	simm.s32 $0x2  }
0x4: {  	s16 =	simm.s32 $0x80;
	s17 =	simm.s32 $0x100;
	s18 =	simm.s32 $0x900  }
0x5: {  	s19 =	simm.s32 $0x1100;
	s20 =	simm.s32 $0x1900;
	s21 =	simm.s32 $0x2100  }
0x6: {  	s28 =	simm.s32 $0x1;
	s29 =	simm.s32 $0x5100;
	s30 =	simm.s32 $0x50  }
0x7: {  	s31 =	simm.s32 $0x7E00;
	[smem:$0x7FF] =	sst s12;
	s1 =	sand.u32 $0x1, s1  }
0x8: {  	s4 =	smul.u32 $0x1F400, s11;
	s5 =	sadd.s32 $0xF7200, s0;
	s7 =	sadd.s32 $0xEA8E00, s0  }
0x9: {  	s6 =	sadd.s32 $0xED400, s0;
	s9 =	sadd.s32 $0x145400, s0;
	s23 =	smul.u32 $0x7D000, s11  }
0xa: {  	s8 =	sadd.s32 $0x2E00, s0;
	p0 =	sgt.u32 s11, $0x9;
	s3 =	smul.u32 $0x138800, s1  }
0xb: {  	_ =	strace $0x80000047;
	[dreg:$0x5] =	wrdreg s9;
	s22 =	ssub.s32 $0x2, s1  }
0xc: {  	s1 =	sshll.u32 s1, $0x4;
	s24 =	sshrl.u32 s22, $0x1;
	s3 =	sadd.s32 s4, s3  }
0xd: {  	s1 =	sor.u32 s11, s1;
	s25 =	sshrl.u32 s23, $0x2;
	s3 =	sshrl.u32 s3, $0x3  }
0xe: {  	s23 =	simm.s32 $0x3100;
	s4 =	sadd.s32 s25, s2;
	s0 =	sadd.s32 s3, s0  }
0xf: {  	s10 =	smul.u32 $0x2710, s1;
	s3 =	ssub.s32 s22, s24;
	s0 =	sadd.s32 $0x149400, s0  }
0x10: {  	s25 =	simm.s32 $0x4100;
	s26 =	smax.u32 s3, $0x1;
	[dreg:$0x6] =	wrdreg s0  }
0x11: {  	v3 =	vlaneseq.u32;
	s3 =	sshrl.u32 @!p0 s4, $0x3;
	[dreg:$0x7] =	wrdreg s26;
	s0 =	sshll.u32 @!p0 s11, $0x6  }
0x12: {  	v0 =	vimm.f32 $0.0e+00;
	vm0 =	vmmov $0xffff;
	v2 =	vshrl.u32 v3, $0x3;
	s22 =	simm.s32 $0x2900;
	[dreg:$0x9] =	wrdreg s3;
	s2 =	sor.u32 @!p0 $0x1C02, s0  }
0x13: {  	v1 =	vand.u32 $0x7, v3;
	v3 =	vor.u32 $0x8, v3;
	v2 =	vmul.u32 $0x8, v2;
	s24 =	simm.s32 $0x3900;
	s26 =	simm.s32 $0x4900;
	[dreg:$0x8] =	wrdreg s2  }
.LBB2_1:
0x14: {  	s0 =	rddreg [dreg:$0x5]  }
0x15: {  	[spmem:s3], [sflag:s2] =	dma.local @!p0 [hbm:s0], $0x3E80  }
0x16: {  	s0 =	simm.s32 @!p0 $0x2  }
0x17: {  	_ =	swait.ge @!p0 [sflag:s0], $0x3E80  }
0x18: {  	[sflag:s0] =	ssyncset.done @!p0 $0x0  }
0x19: {  	[sflag:s0] =	ssyncadd.s32 @!p0 $0xFFFFC180  }
0x1a: {  	[bflag:$0x0] =	sbarrier.arrive $0xFFFF  }
0x1b: {  	s1 =	simm.s32 $0x70;
	s0 =	simm.s32 $0x3C0;
	[dreg:$0x4] =	wrdreg s12  }
.LBB2_2:
0x1c: {  	p1 =	seq.s32 s0, $0x9FC0;
	[tilespmem:s1+$0x7E00] =	vst v0;
	s1 =	smov.u32 s0;
	s0 =	sadd.s32 $0x200, s0  }
.Ltmp0:
0x1d: {  	(pc) =	sbr.rel @!p1 .LBB2_2-.Ltmp0, $2  }
0x1e: {  	_ =	sdelay $0x2  }
0x1f: {  	s1 =	sshra.s32 s1, $0x2  }
0x20: {  	[tilespmem:s1+$0x7E00] =	vst v0;
	s0 =	simm.s32 $0x0;
	s3 =	simm.s32 $0x0  }
.LBB2_4:
0x21: {  	s1 =	smul.u32 $0x50, s3;
	_ =	sdelay $0x1  }
0x22: {  	s1 =	sadd.s32 s10, s1  }
0x23: {  	s4 =	sshrl.u32 s1, $0x3  }
0x24: {  	s9 =	sadd.s32 s6, s4  }
0x25: {  	[tilespmem:s0], [sflag:$0x2] =	stream.linear.gather [hbm4b:s9+s0], $0x50, $0x38;
	[tilespmem:$0x1DE80] =	vst v63  }
0x26: {  	_ =	swait.ge [sflag:s15], $0x50  }
0x27: {  	[sflag:s15] =	ssyncset.done $0x0  }
0x28: {  	[sflag:s15] =	ssyncadd.s32 $0xFFFFFFB0  }
0x29: {  	s2 =	rddreg [dreg:$0x1]  }
0x2a: {  	s4 =	sadd.s32 s2, s4  }
0x2b: {  	[tilespmem:s16], [sflag:$0x2] =	stream.linear.gather [hbm4b:s4+s0], $0x50, $0x38;
	[tilespmem:$0x1DE80] =	vst v63  }
0x2c: {  	_ =	swait.ge [sflag:s15], $0x50  }
0x2d: {  	[sflag:s15] =	ssyncset.done $0x0  }
0x2e: {  	[sflag:s15] =	ssyncadd.s32 $0xFFFFFFB0  }
0x2f: {  	v4 =	vld [tilespmem:$0x0];
	_ =	sdelay $0x4  }
0x30: {  	v5 =	vshll.u32 v4, $0x1  }
0x31: {  	v4 =	vand.u32 $0x7, v4;
	v5 =	vand.u32 $0xFFFFFFF0, v5  }
0x32: {  	v4 =	vor.u32 v4, v5  }
0x33: {  	v5 =	vperm.xlane v4, v1;
	_ =	sdelay $0x1  }
0x34: {  	v4 =	vperm.xlane v4, v3;
	v5 =	vadd.s32 v2, v5;
	_ =	sdelay $0x1  }
0x35: {  	v4 =	vadd.s32 v2, v4;
	_ =	sdelay $0x2  }
0x36: {  	[tilespmem:s17], [sflag:$0x1] =	stream.indirect_vreg.gather [hbm4b:s5+s0], $0x80, v5, vm0, $0xb8;
	[tilespmem:$0x1DE80] =	vst v63  }
0x37: {  	_ = 	snop  }
0x38: {  	[tilespmem:s18], [sflag:$0x1] =	stream.indirect_vreg.gather [hbm4b:s5+s0], $0x80, v4, vm0, $0xb8;
	[tilespmem:$0x1DE80] =	vst v63  }
0x39: {  	v4 =	vld [tilespmem:$0x10];
	_ =	sdelay $0x4  }
0x3a: {  	v5 =	vshll.u32 v4, $0x1  }
0x3b: {  	v4 =	vand.u32 $0x7, v4;
	v5 =	vand.u32 $0xFFFFFFF0, v5  }
0x3c: {  	v4 =	vor.u32 v4, v5  }
0x3d: {  	v5 =	vperm.xlane v4, v1;
	_ =	sdelay $0x1  }
0x3e: {  	v4 =	vperm.xlane v4, v3;
	v5 =	vadd.s32 v2, v5;
	_ =	sdelay $0x1  }
0x3f: {  	v4 =	vadd.s32 v2, v4;
	_ =	sdelay $0x2  }
0x40: {  	[tilespmem:s19], [sflag:$0x1] =	stream.indirect_vreg.gather [hbm4b:s5+s0], $0x80, v5, vm0, $0xb8;
	[tilespmem:$0x1DE80] =	vst v63  }
0x41: {  	_ = 	snop  }
0x42: {  	[tilespmem:s20], [sflag:$0x1] =	stream.indirect_vreg.gather [hbm4b:s5+s0], $0x80, v4, vm0, $0xb8;
	[tilespmem:$0x1DE80] =	vst v63  }
0x43: {  	v4 =	vld [tilespmem:$0x20];
	_ =	sdelay $0x4  }
0x44: {  	v5 =	vshll.u32 v4, $0x1  }
0x45: {  	v4 =	vand.u32 $0x7, v4;
	v5 =	vand.u32 $0xFFFFFFF0, v5  }
0x46: {  	v4 =	vor.u32 v4, v5  }
0x47: {  	v5 =	vperm.xlane v4, v1;
	_ =	sdelay $0x1  }
0x48: {  	v4 =	vperm.xlane v4, v3;
	v5 =	vadd.s32 v2, v5;
	_ =	sdelay $0x1  }
0x49: {  	v4 =	vadd.s32 v2, v4;
	_ =	sdelay $0x2  }
0x4a: {  	[tilespmem:s21], [sflag:$0x1] =	stream.indirect_vreg.gather [hbm4b:s5+s0], $0x80, v5, vm0, $0xb8;
	[tilespmem:$0x1DE80] =	vst v63  }
0x4b: {  	_ = 	snop  }
0x4c: {  	[tilespmem:s22], [sflag:$0x1] =	stream.indirect_vreg.gather [hbm4b:s5+s0], $0x80, v4, vm0, $0xb8;
	[tilespmem:$0x1DE80] =	vst v63  }
0x4d: {  	v4 =	vld [tilespmem:$0x30];
	_ =	sdelay $0x4  }
0x4e: {  	v5 =	vshll.u32 v4, $0x1  }
0x4f: {  	v4 =	vand.u32 $0x7, v4;
	v5 =	vand.u32 $0xFFFFFFF0, v5  }
0x50: {  	v4 =	vor.u32 v4, v5  }
0x51: {  	v5 =	vperm.xlane v4, v1;
	_ =	sdelay $0x1  }
0x52: {  	v4 =	vperm.xlane v4, v3;
	v5 =	vadd.s32 v2, v5;
	_ =	sdelay $0x1  }
0x53: {  	v4 =	vadd.s32 v2, v4;
	_ =	sdelay $0x2  }
0x54: {  	[tilespmem:s23], [sflag:$0x1] =	stream.indirect_vreg.gather [hbm4b:s5+s0], $0x80, v5, vm0, $0xb8;
	[tilespmem:$0x1DE80] =	vst v63  }
0x55: {  	_ = 	snop  }
0x56: {  	[tilespmem:s24], [sflag:$0x1] =	stream.indirect_vreg.gather [hbm4b:s5+s0], $0x80, v4, vm0, $0xb8;
	[tilespmem:$0x1DE80] =	vst v63  }
0x57: {  	v4 =	vld [tilespmem:$0x40];
	_ =	sdelay $0x4  }
0x58: {  	v5 =	vshll.u32 v4, $0x1  }
0x59: {  	v4 =	vand.u32 $0x7, v4;
	v5 =	vand.u32 $0xFFFFFFF0, v5  }
0x5a: {  	v4 =	vor.u32 v4, v5  }
0x5b: {  	v5 =	vperm.xlane v4, v1;
	_ =	sdelay $0x1  }
0x5c: {  	v4 =	vperm.xlane v4, v3;
	v5 =	vadd.s32 v2, v5;
	_ =	sdelay $0x1  }
0x5d: {  	v4 =	vadd.s32 v2, v4;
	_ =	sdelay $0x2  }
0x5e: {  	[tilespmem:s25], [sflag:$0x1] =	stream.indirect_vreg.gather [hbm4b:s5+s0], $0x80, v5, vm0, $0xb8;
	[tilespmem:$0x1DE80] =	vst v63  }
0x5f: {  	_ = 	snop  }
0x60: {  	[tilespmem:s26], [sflag:$0x1] =	stream.indirect_vreg.gather [hbm4b:s5+s0], $0x80, v4, vm0, $0xb8;
	[tilespmem:$0x1DE80] =	vst v63  }
0x61: {  	_ =	swait.ge [sflag:s28], $0x5000  }
0x62: {  	s11 =	sshll.u32 s1, $0x4;
	[sflag:s28] =	ssyncset.done $0x0  }
0x63: {  	s4 =	sadd.s32 s7, s11;
	[sflag:s28] =	ssyncadd.s32 $0xFFFFB000  }
0x64: {  	[tilespmem:s29], [sflag:$0x2] =	stream.linear.gather [hbm4b:s4+s0], $0x2800, $0x38;
	[tilespmem:$0x1DE80] =	vst v63  }
0x65: {  	_ =	swait.ge [sflag:s15], $0x2800  }
0x66: {  	s1 =	sshll.u32 s1, $0x1;
	[sflag:s15] =	ssyncset.done $0x0  }
0x67: {  	s1 =	sadd.s32 s8, s1;
	s9 =	simm.s32 $0x7900;
	[sflag:s15] =	ssyncadd.s32 $0xFFFFD800  }
0x68: {  	[tilespmem:s9], [sflag:$0x2] =	stream.linear.gather [hbm4b:s1+s0], $0x500, $0x38;
	[tilespmem:$0x1DE80] =	vst v63  }
0x69: {  	_ =	swait.ge [sflag:s15], $0x500  }
0x6a: {  	s12 =	sand.u32 $0x7800, s0;
	s13 =	sand.u32 $0x380, s0;
	[sflag:s15] =	ssyncset.done $0x0  }
0x6b: {  	s4 =	sor.u32 s13, s12;
	[sflag:s15] =	ssyncadd.s32 $0xFFFFFB00  }
0x6c: {  	s14 =	simm.s32 $0x5130;
	v4 =	vld [tilespmem:s4+$0x100]  }
0x6d: {  	v5 =	vld [tilespmem:s14+$0xFFFFFFD0];
	_ =	sdelay $0x4  }
0x6e: {  	v4 =	vmul.f32 v4, v5  }
0x6f: {  	s11 =	simm.s32 $0x7E30  }
0x70: {  	v5 =	vld [tilespmem:s9+$0x0];
	[tilespmem:s11+$0xFFFFFFD0] =	vst v4  }
0x71: {  	v4 =	vld [tilespmem:s14+$0xFFFFFFE0]  }
0x72: {  	v6 =	vld [tilespmem:s4+$0x110];
	_ =	sdelay $0x4  }
0x73: {  	v4 =	vmul.f32 v6, v4;
	_ =	sdelay $0x1  }
0x74: {  	[tilespmem:s11+$0xFFFFFFE0] =	vst v4  }
0x75: {  	v4 =	vld [tilespmem:s14+$0xFFFFFFF0]  }
0x76: {  	v6 =	vld [tilespmem:s4+$0x120];
	_ =	sdelay $0x4  }
0x77: {  	v4 =	vmul.f32 v6, v4;
	_ =	sdelay $0x1  }
0x78: {  	[tilespmem:s11+$0xFFFFFFF0] =	vst v4  }
0x79: {  	v4 =	vld [tilespmem:s14+$0x0]  }
0x7a: {  	v6 =	vld [tilespmem:s4+$0x130];
	_ =	sdelay $0x4  }
0x7b: {  	v4 =	vmul.f32 v6, v4;
	_ =	sdelay $0x1  }
0x7c: {  	[tilespmem:s11+$0x0] =	vst v4  }
0x7d: {  	v4 =	vld [tilespmem:s4+$0x140]  }
0x7e: {  	v6 =	vld [tilespmem:s4+$0x160];
	_ =	sdelay $0x1  }
0x7f: {  	v7 =	vld [tilespmem:s4+$0x500]  }
0x80: {  	v8 =	vbroadcast v5, $0x1;
	v9 =	vbroadcast v5, $0x2  }
0x81: {  	v10 =	vbroadcast v5, $0x3  }
0x82: {  	v4 =	vmul.f32 v4, v8;
	v6 =	vmul.f32 v6, v9  }
0x83: {  	v11 =	vld [tilespmem:s14+$0x10]  }
0x84: {  	v4 =	vadd.f32 v6, v4;
	v6 =	vmul.f32 v7, v10;
	_ =	sdelay $0x1  }
0x85: {  	v4 =	vadd.f32 v6, v4;
	_ =	sdelay $0x1  }
0x86: {  	v4 =	vmul.f32 v4, v11;
	_ =	sdelay $0x1  }
0x87: {  	v4 =	vmul.f32 $5.773502590e-01, v4;
	_ =	sdelay $0x1  }
0x88: {  	[tilespmem:s11+$0x10] =	vst v4  }
0x89: {  	v4 =	vld [tilespmem:s4+$0x150]  }
0x8a: {  	v6 =	vld [tilespmem:s4+$0x170];
	_ =	sdelay $0x1  }
0x8b: {  	v7 =	vld [tilespmem:s4+$0x510];
	_ =	sdelay $0x2  }
0x8c: {  	v4 =	vmul.f32 v4, v8;
	v6 =	vmul.f32 v6, v9  }
0x8d: {  	v8 =	vld [tilespmem:s14+$0x20]  }
0x8e: {  	v4 =	vadd.f32 v6, v4;
	v6 =	vmul.f32 v7, v10;
	_ =	sdelay $0x1  }
0x8f: {  	v4 =	vadd.f32 v6, v4;
	_ =	sdelay $0x1  }
0x90: {  	v4 =	vmul.f32 v4, v8;
	_ =	sdelay $0x1  }
0x91: {  	v4 =	vmul.f32 $5.773502590e-01, v4;
	_ =	sdelay $0x1  }
0x92: {  	[tilespmem:s11+$0x20] =	vst v4  }
0x93: {  	v4 =	vld [tilespmem:s4+$0x520]  }
0x94: {  	v6 =	vld [tilespmem:s4+$0x530];
	_ =	sdelay $0x1  }
0x95: {  	v8 =	vbroadcast v5, $0x4;
	v7 =	vld [tilespmem:s4+$0x540]  }
0x96: {  	v61 =	vbroadcast v5, $0x5  }
0x97: {  	v62 =	vld [tilespmem:s4+$0x550];
	v4 =	vmul.f32 v4, v8  }
0x98: {  	v8 =	vbroadcast v5, $0x6;
	v6 =	vmul.f32 v6, v61  }
0x99: {  	v63 =	vld [tilespmem:s4+$0x560]  }
0x9a: {  	v7 =	vmul.f32 v7, v8;
	v8 =	vbroadcast v5, $0x7;
	v4 =	vadd.f32 v6, v4;
	_ =	sdelay $0x1  }
0x9b: {  	v6 =	vmul.f32 v62, v8;
	v4 =	vadd.f32 v7, v4;
	v7 =	vbroadcast v5, $0x8  }
0x9c: {  	s12 =	simm.s32 $0x80;
	v5 =	vld [tilespmem:s14+$0x30]  }
0x9d: {  	s13 =	simm.s32 $0x7E30;
	s4 =	simm.s32 $0x0;
	s14 =	simm.s32 $0x51B0;
	v4 =	vadd.f32 v6, v4;
	v6 =	vmul.f32 v63, v7  }
.LBB2_5:
0x9e: {  	s4 =	sadd.s32 $0x100, s4;
	s9 =	sadd.s32 $0x10, s9;
	s11 =	sadd.s32 $0x80, s11  }
0x9f: {  	p1 =	sne.s32 s12, $0x2780;
	s1 =	smov.u32 s12;
	s12 =	sadd.s32 $0x80, s12;
	v4 =	vadd.f32 v6, v4  }
0xa0: {  	_ = 	snop  }
0xa1: {  	v4 =	vmul.f32 v4, v5;
	_ =	sdelay $0x1  }
0xa2: {  	v4 =	vmul.f32 $4.472135900e-01, v4  }
0xa3: {  	s2 =	sand.u32 $0x7800, s4;
	s1 =	sand.u32 $0x380, s1  }
0xa4: {  	s1 =	sor.u32 s1, s2;
	[tilespmem:s13+$0x30] =	vst v4;
	s13 =	smov.u32 s11  }
0xa5: {  	v4 =	vld [tilespmem:s1+$0x100]  }
0xa6: {  	v5 =	vld [tilespmem:s14+$0xFFFFFFD0];
	_ =	sdelay $0x4  }
0xa7: {  	v5 =	vmul.f32 v4, v5  }
0xa8: {  	v4 =	vld [tilespmem:s9+$0x0]  }
0xa9: {  	[tilespmem:s11+$0xFFFFFFD0] =	vst v5  }
0xaa: {  	v5 =	vld [tilespmem:s14+$0xFFFFFFE0]  }
0xab: {  	v6 =	vld [tilespmem:s1+$0x110];
	_ =	sdelay $0x4  }
0xac: {  	v5 =	vmul.f32 v6, v5;
	_ =	sdelay $0x1  }
0xad: {  	[tilespmem:s11+$0xFFFFFFE0] =	vst v5  }
0xae: {  	v5 =	vld [tilespmem:s14+$0xFFFFFFF0]  }
0xaf: {  	v6 =	vld [tilespmem:s1+$0x120];
	_ =	sdelay $0x4  }
0xb0: {  	v5 =	vmul.f32 v6, v5;
	_ =	sdelay $0x1  }
0xb1: {  	[tilespmem:s11+$0xFFFFFFF0] =	vst v5  }
0xb2: {  	v5 =	vld [tilespmem:s14+$0x0]  }
0xb3: {  	v6 =	vld [tilespmem:s1+$0x130];
	_ =	sdelay $0x4  }
0xb4: {  	v5 =	vmul.f32 v6, v5;
	_ =	sdelay $0x1  }
0xb5: {  	[tilespmem:s11+$0x0] =	vst v5  }
0xb6: {  	v5 =	vld [tilespmem:s1+$0x140]  }
0xb7: {  	v6 =	vld [tilespmem:s1+$0x160]  }
0xb8: {  	v7 =	vld [tilespmem:s1+$0x500];
	_ =	sdelay $0x1  }
0xb9: {  	v8 =	vbroadcast v4, $0x1;
	v9 =	vbroadcast v4, $0x2  }
0xba: {  	v10 =	vbroadcast v4, $0x3  }
0xbb: {  	v5 =	vmul.f32 v5, v8;
	v6 =	vmul.f32 v6, v9  }
0xbc: {  	v11 =	vld [tilespmem:s14+$0x10]  }
0xbd: {  	v5 =	vadd.f32 v6, v5;
	v6 =	vmul.f32 v7, v10;
	_ =	sdelay $0x1  }
0xbe: {  	v5 =	vadd.f32 v6, v5;
	_ =	sdelay $0x1  }
0xbf: {  	v5 =	vmul.f32 v5, v11;
	_ =	sdelay $0x1  }
0xc0: {  	v5 =	vmul.f32 $5.773502590e-01, v5;
	_ =	sdelay $0x1  }
0xc1: {  	[tilespmem:s11+$0x10] =	vst v5  }
0xc2: {  	v5 =	vld [tilespmem:s1+$0x150]  }
0xc3: {  	v6 =	vld [tilespmem:s1+$0x170]  }
0xc4: {  	v7 =	vld [tilespmem:s1+$0x510]  }
0xc5: {  	v11 =	vld [tilespmem:s14+$0x20];
	_ =	sdelay $0x2  }
0xc6: {  	v5 =	vmul.f32 v5, v8;
	v6 =	vmul.f32 v6, v9;
	_ =	sdelay $0x1  }
0xc7: {  	v5 =	vadd.f32 v6, v5;
	v6 =	vmul.f32 v7, v10;
	_ =	sdelay $0x1  }
0xc8: {  	v5 =	vadd.f32 v6, v5;
	_ =	sdelay $0x1  }
0xc9: {  	v5 =	vmul.f32 v5, v11;
	_ =	sdelay $0x1  }
0xca: {  	v5 =	vmul.f32 $5.773502590e-01, v5;
	_ =	sdelay $0x1  }
0xcb: {  	[tilespmem:s11+$0x20] =	vst v5  }
0xcc: {  	v5 =	vld [tilespmem:s1+$0x520]  }
0xcd: {  	v6 =	vld [tilespmem:s1+$0x530]  }
0xce: {  	v7 =	vld [tilespmem:s1+$0x540]  }
0xcf: {  	v8 =	vbroadcast v4, $0x4;
	v9 =	vbroadcast v4, $0x5;
	v10 =	vld [tilespmem:s1+$0x550]  }
0xd0: {  	v11 =	vld [tilespmem:s1+$0x560]  }
0xd1: {  	v12 =	vbroadcast v4, $0x6;
	v8 =	vmul.f32 v5, v8;
	v5 =	vld [tilespmem:s14+$0x30]  }
0xd2: {  	v6 =	vmul.f32 v6, v9  }
0xd3: {  	v9 =	vbroadcast v4, $0x7;
	v7 =	vmul.f32 v7, v12  }
.Ltmp1:
0xd4: {  	v6 =	vadd.f32 v6, v8;
	(pc) =	sbr.rel @p1 .LBB2_5-.Ltmp1, $3  }
0xd5: {  	v8 =	vmul.f32 v10, v9  }
0xd6: {  	v6 =	vadd.f32 v7, v6;
	v7 =	vbroadcast v4, $0x8;
	_ =	sdelay $0x1  }
0xd7: {  	s14 =	sadd.s32 $0x80, s14;
	v4 =	vadd.f32 v8, v6;
	v6 =	vmul.f32 v11, v7  }
0xd8: {  	_ = 	snop  }
0xd9: {  	v4 =	vadd.f32 v6, v4;
	_ =	sdelay $0x1  }
0xda: {  	v4 =	vmul.f32 v4, v5;
	_ =	sdelay $0x1  }
0xdb: {  	s3 =	sadd.s32 $0x1, s3;
	v4 =	vmul.f32 $4.472135900e-01, v4  }
0xdc: {  	p1 =	sne.s32 s3, $0x7D  }
.Ltmp2:
0xdd: {  	s1 =	rddreg [dreg:$0x2];
	[tilespmem:s13+$0x30] =	vst v4;
	(pc) =	sbr.rel @p1 .LBB2_4-.Ltmp2, $4  }
0xde: {  	[spmem:s1] =	stream.indirect.scatter.add.f32 [tilespmem:s31], [sflag:$0x2], $0x80, s16, s30, $0xb8;
	[tilespmem:$0x1DE80] =	vst v63  }
0xdf: {  	_ =	swait.ge [sflag:s15], $0x2800  }
0xe0: {  	[sflag:s15] =	ssyncset.done $0x0  }
0xe1: {  	[sflag:s15] =	ssyncadd.s32 $0xFFFFD800  }
0xe2: {  	[bflag:$0x0] =	sbarrier.arrive $0xFFFF  }
0xe3: {  	s0 =	rddreg [dreg:$0x6]  }
0xe4: {  	s2 =	rddreg [dreg:$0x8]  }
0xe5: {  	s3 =	rddreg [dreg:$0x9]  }
0xe6: {  	[hbm:s0], [sflag:s2] =	dma.local @!p0 [spmem:s3], $0x3E80  }
0xe7: {  	s0 =	simm.s32 @!p0 $0x2  }
0xe8: {  	_ =	swait.ge @!p0 [sflag:s0], $0x3E80  }
0xe9: {  	s12 =	rddreg [dreg:$0x4]  }
0xea: {  	s1 =	rddreg [dreg:$0x7];
	s12 =	sadd.s32 $0x1, s12  }
0xeb: {  	p1 =	sne.s32 s12, s1  }
.Ltmp3:
0xec: {  	_ = 	snop;
	(pc) =	sbr.rel @p1 .LBB2_1-.Ltmp3, $3  }
0xed: {  	_ =	sdelay $0x1  }
0xee: {  	[sflag:s0] =	ssyncset.done @!p0 $0x0  }
0xef: {  	[sflag:s0] =	ssyncadd.s32 @!p0 $0xFFFFC180  }
0xf0: {  	_ =	sfence.sel $0x180000  }
0xf1: {  	[bflag:$0x0] =	sbarrier.arrive $0xFFFF  }
0xf2: {  	_ =	strace $0x90000047  }
0xf3: {  	s0 =	stileid.u32;
	[bflag:$0x2] =	sbarrier.arrive $0xFFFF  }
0xf4: {  	p0 =	sne.s32 s0, $0x0;
	s0 =	rddreg [dreg:$0x3]  }
0xf5: {  	s0 =	sadd.s32 @!p0 $0x100000, s0  }
0xf6: {  	[sflag:s0] =	ssyncadd.tile.s32 @!p0 $0x1;
	_ =	shalt  }
.Lfunc_end2:
_tile_overlayer_lowered:
.L_overlay_start_2:
0xf7: {  	(tag) =	ssettag $0x2  }
0xf8: {  	s0 =	rddreg [dreg:$0x0];
	s2 =	stileid.u32  }
0xf9: {  	s1 =	rddreg [dreg:$0x1];
	p0 =	sne.s32 s2, $0x0  }
0xfa: {  	s3 =	rddreg [dreg:$0x2];
	[bflag:$0x3] =	sbarrier.arrive $0xFFFF;
	s2 =	simm.s32 @!p0 $0x1C02  }
0xfb: {  	[timem:s3], [sflag:s2] =	dma.local @!p0 [hbm:s0], s1  }
0xfc: {  	s0 =	simm.s32 @!p0 $0x2  }
0xfd: {  	_ =	swait.ge @!p0 [sflag:s0], s1  }
0xfe: {  	s1 =	ssub.s32 @!p0 $0x0, s1;
	[sflag:s0] =	ssyncset.done @!p0 $0x0  }
0xff: {  	[sflag:s0] =	ssyncadd.s32 @!p0 s1  }
0x100: {  	[bflag:$0x3] =	sbarrier.arrive $0xFFFF  }
0x101: {  	_ =	shalt  }

</sc_bundles>
